<compile_context>
chip_gen: v7x
topology: tpu7x:2x2x1
jax: 0.10.2.dev20260603
libtpu: 0.0.44.dev20260713+nightly
codegen_flags: <defaults>
</compile_context>

<pallas_src>
import jax
import jax.numpy as jnp
from jax import lax
from jax.experimental import pallas as pl
from jax.experimental.pallas import tpu as pltpu
from jax.experimental.pallas import tpu_sc as plsc

NC = 2
NS = 16
NW = NC * NS
B = 16
T = 2048
D = 128
B_TOT = B * T
PER_W = B_TOT // NW
C = 128
SIZES = (32, 32, 64, 128, 128, 128, 128, 128, 128, 64, 32, 32)
assert sum(SIZES) == PER_W
OFFS = tuple(sum(SIZES[:i]) for i in range(len(SIZES)))
NCHUNK = len(SIZES)
NBUF = 7
OLAG = 5


def _embd_body(wte_hbm, idx_hbm, wpe_hbm, out_hbm, idx_v, wpe_sh, *rest):
    bufs = rest[:NBUF]
    s_w = rest[NBUF:2 * NBUF]
    s_g = rest[2 * NBUF:3 * NBUF]
    s_o = rest[3 * NBUF:4 * NBUF]
    s_st = rest[4 * NBUF]
    del rest

    cid = lax.axis_index("c")
    sid = lax.axis_index("s")
    wid = sid * NC + cid
    base = wid * PER_W
    pos_base = cid * PER_W

    @pl.when(sid == 0)
    def _stage():
        pltpu.async_copy(wpe_hbm.at[pl.ds(pos_base, PER_W)], wpe_sh, s_st)

    pltpu.sync_copy(idx_hbm.at[pl.ds(base, PER_W)], idx_v)

    @pl.when(sid == 0)
    def _wait_stage():
        pltpu.make_async_copy(
            wpe_hbm.at[pl.ds(pos_base, PER_W)], wpe_sh, s_st
        ).wait()

    plsc.subcore_barrier()

    w_cp = [None] * NCHUNK
    g_cp = [None] * NCHUNK
    o_cp = [None] * NCHUNK
    o_waited = [False] * NCHUNK
    def buf_part(c):
        b = bufs[c % NBUF]
        return b if SIZES[c] == C else b.at[pl.ds(0, SIZES[c])]

    for c in range(min(NBUF, NCHUNK)):
        w_cp[c] = pltpu.async_copy(
            wpe_sh.at[pl.ds(OFFS[c], SIZES[c])], buf_part(c), s_w[c]
        )
    for step in range(NCHUNK + OLAG):
        c = step
        if c < NCHUNK:
            w_cp[c].wait()
            g_cp[c] = pltpu.async_copy(
                wte_hbm.at[idx_v.at[pl.ds(OFFS[c], SIZES[c])]],
                buf_part(c),
                s_g[c % NBUF],
                add=True,
            )
        co = step - OLAG
        if 0 <= co < NCHUNK:
            g_cp[co].wait()
            o_cp[co] = pltpu.async_copy(
                buf_part(co),
                out_hbm.at[pl.ds(base + OFFS[co], SIZES[co])],
                s_o[co % NBUF],
            )
        n = step + NBUF - OLAG - 1
        if NBUF <= n < NCHUNK:
            o_cp[n - NBUF].wait()
            o_waited[n - NBUF] = True
            w_cp[n] = pltpu.async_copy(
                wpe_sh.at[pl.ds(OFFS[n], SIZES[n])],
                buf_part(n),
                s_w[n % NBUF],
            )
    for c in range(NCHUNK):
        if not o_waited[c]:
            o_cp[c].wait()


def kernel(idx, wte, wpe):
    idx_flat = idx.reshape(-1).astype(jnp.int32)
    run = pl.kernel(
        _embd_body,
        out_type=jax.ShapeDtypeStruct((B_TOT, D), jnp.float32),
        mesh=plsc.VectorSubcoreMesh(core_axis_name="c", subcore_axis_name="s"),
        scratch_types=(
            [pltpu.VMEM((PER_W,), jnp.int32),
             pltpu.VMEM_SHARED((PER_W, D), jnp.float32)]
            + [pltpu.VMEM((C, D), jnp.float32) for _ in range(NBUF)]
            + [pltpu.SemaphoreType.DMA for _ in range(3 * NBUF + 1)]
        ),
    )
    out = run(wte, idx_flat, wpe)
    return out.reshape(B, T, D)

# --- scband reference (transcript-rebuilt; emitter-appended) ---
"""Pipeline reference for scband-embd-38422777430613 (READ-ONLY COPY).

The authoritative reference and input builder live on the scoring server;
editing this copy changes nothing except your own understanding.
"""

import jax, jax.numpy as jnp
import numpy as np

VOCAB = 100000
BLOCK = 2048
N_EMBD = 128

def setup_inputs(seed: int = 0) -> dict:
    key = jax.random.key(seed)
    k1, k2, k3 = jax.random.split(key, 3)
    idx = jax.random.randint(k1, (16, 2048), 0, VOCAB, dtype=jnp.int64 if jax.config.jax_enable_x64 else jnp.int32)
    wte = jax.random.normal(k2, (VOCAB, N_EMBD), dtype=jnp.float32)
    wpe = jax.random.normal(k3, (BLOCK, N_EMBD), dtype=jnp.float32)
    return {"idx": idx, "wte": wte, "wpe": wpe}

def reference(idx, wte, wpe):
    # simple_encode=1 path; dropout p=0.0 is identity
    T = idx.shape[1]
    pos = jnp.arange(0, T, dtype=jnp.int32)[None, :]  # [1, T]
    pos_emb = jnp.take(wpe, pos, axis=0)              # [1, T, n_embd]
    tok_emb = jnp.take(wte, idx, axis=0)              # [B, T, n_embd]
    emb = tok_emb + pos_emb
    return emb

if __name__ == "__main__":
    import jax
    _d = setup_inputs()
    print(jax.jit(kernel)(*tuple(_d.values())))

</pallas_src>

<mosaic_0001>
#map = affine_map<(d0, d1) -> (0, 0)>
#map1 = affine_map<(d0, d1) -> (0)>
module attributes {stable_mosaic.version = 14 : i64} {
  func.func @_embd_body(%arg0: i32, %arg1: i32, %arg2: memref<100000x128xf32, #tpu.memory_space<hbm>>, %arg3: memref<32768xi32, #tpu.memory_space<hbm>>, %arg4: memref<2048x128xf32, #tpu.memory_space<hbm>>, %arg5: memref<32768x128xf32, #tpu.memory_space<hbm>>, %arg6: memref<1024xi32, #tpu.memory_space<vmem>>, %arg7: memref<1024x128xf32, #tpu.memory_space<vmem_shared>>, %arg8: memref<128x128xf32, #tpu.memory_space<vmem>>, %arg9: memref<128x128xf32, #tpu.memory_space<vmem>>, %arg10: memref<128x128xf32, #tpu.memory_space<vmem>>, %arg11: memref<128x128xf32, #tpu.memory_space<vmem>>, %arg12: memref<128x128xf32, #tpu.memory_space<vmem>>, %arg13: memref<128x128xf32, #tpu.memory_space<vmem>>, %arg14: memref<128x128xf32, #tpu.memory_space<vmem>>, %arg15: memref<!tpu.dma_semaphore, #tpu.memory_space<semaphore_mem>>, %arg16: memref<!tpu.dma_semaphore, #tpu.memory_space<semaphore_mem>>, %arg17: memref<!tpu.dma_semaphore, #tpu.memory_space<semaphore_mem>>, %arg18: memref<!tpu.dma_semaphore, #tpu.memory_space<semaphore_mem>>, %arg19: memref<!tpu.dma_semaphore, #tpu.memory_space<semaphore_mem>>, %arg20: memref<!tpu.dma_semaphore, #tpu.memory_space<semaphore_mem>>, %arg21: memref<!tpu.dma_semaphore, #tpu.memory_space<semaphore_mem>>, %arg22: memref<!tpu.dma_semaphore, #tpu.memory_space<semaphore_mem>>, %arg23: memref<!tpu.dma_semaphore, #tpu.memory_space<semaphore_mem>>, %arg24: memref<!tpu.dma_semaphore, #tpu.memory_space<semaphore_mem>>, %arg25: memref<!tpu.dma_semaphore, #tpu.memory_space<semaphore_mem>>, %arg26: memref<!tpu.dma_semaphore, #tpu.memory_space<semaphore_mem>>, %arg27: memref<!tpu.dma_semaphore, #tpu.memory_space<semaphore_mem>>, %arg28: memref<!tpu.dma_semaphore, #tpu.memory_space<semaphore_mem>>, %arg29: memref<!tpu.dma_semaphore, #tpu.memory_space<semaphore_mem>>, %arg30: memref<!tpu.dma_semaphore, #tpu.memory_space<semaphore_mem>>, %arg31: memref<!tpu.dma_semaphore, #tpu.memory_space<semaphore_mem>>, %arg32: memref<!tpu.dma_semaphore, #tpu.memory_space<semaphore_mem>>, %arg33: memref<!tpu.dma_semaphore, #tpu.memory_space<semaphore_mem>>, %arg34: memref<!tpu.dma_semaphore, #tpu.memory_space<semaphore_mem>>, %arg35: memref<!tpu.dma_semaphore, #tpu.memory_space<semaphore_mem>>, %arg36: memref<!tpu.dma_semaphore, #tpu.memory_space<semaphore_mem>>) attributes {dimension_semantics = [#tpu.dimension_semantics<core_parallel>, #tpu.dimension_semantics<subcore_parallel>], iteration_bounds = array<i64: 2, 16>, scalar_prefetch = 0 : i64, scratch_operands = 31 : i64, tpu.core_type = #tpu.core_type<sc_vector_subcore>, window_params = [{transform_indices = #map}, {transform_indices = #map1}, {transform_indices = #map}, {transform_indices = #map}]} {
    %mul3A = arith.constant 2 : i32
    %mul3A_0 = arith.muli %arg1, %mul3A : i32
    %add3A = arith.addi %mul3A_0, %arg0 : i32
    %mul3A_1 = arith.constant 1024 : i32
    %mul3A_2 = arith.muli %add3A, %mul3A_1 : i32
    %mul3A_3 = arith.constant 1024 : i32
    %mul3A_4 = arith.muli %arg0, %mul3A_3 : i32
    %eq3A = arith.constant 0 : i32
    %eq3A_5 = arith.cmpi eq, %arg1, %eq3A : i32
    %convert_element_type3A = arith.extui %eq3A_5 : i1 to i32
    %cond3A = arith.constant 0 : i32
    %cond3A_6 = arith.cmpi ne, %convert_element_type3A, %cond3A : i32
    scf.if %cond3A_6 {
      %dma_start3A_574 = arith.constant 0 : i32
      %dma_start3A_575 = tpu.memref_slice %arg4[%mul3A_4, %dma_start3A_574] : memref<2048x128xf32, #tpu.memory_space<hbm>> -> memref<1024x128xf32, #tpu.memory_space<hbm>>
      tpu.enqueue_dma source(%dma_start3A_575 : memref<1024x128xf32, #tpu.memory_space<hbm>>) target(%arg7 : memref<1024x128xf32, #tpu.memory_space<vmem_shared>>) target_semaphore(%arg36 : memref<!tpu.dma_semaphore, #tpu.memory_space<semaphore_mem>>)
    } else {
    }
    "tpu.region"() ({
      %run_scoped3A = tpu.sem_alloc : memref<!tpu.dma_semaphore, #tpu.memory_space<semaphore_mem>>
      %dma_start3A_574 = tpu.memref_slice %arg3[%mul3A_2] : memref<32768xi32, #tpu.memory_space<hbm>> -> memref<1024xi32, #tpu.memory_space<hbm>>
      %dma_start3A_575 = tpu.memref_slice %arg3[%mul3A_2] : memref<32768xi32, #tpu.memory_space<hbm>> -> memref<1024xi32, #tpu.memory_space<hbm>>
      tpu.enqueue_dma source(%dma_start3A_575 : memref<1024xi32, #tpu.memory_space<hbm>>) target(%arg6 : memref<1024xi32, #tpu.memory_space<vmem>>) target_semaphore(%run_scoped3A : memref<!tpu.dma_semaphore, #tpu.memory_space<semaphore_mem>>)
      %dma_wait3A_576 = tpu.memref_slice %arg3[%mul3A_2] : memref<32768xi32, #tpu.memory_space<hbm>> -> memref<1024xi32, #tpu.memory_space<hbm>>
      %dma_wait3A_577 = tpu.memref_slice %arg3[%mul3A_2] : memref<32768xi32, #tpu.memory_space<hbm>> -> memref<1024xi32, #tpu.memory_space<hbm>>
      tpu.wait_dma2 semaphore(%run_scoped3A : memref<!tpu.dma_semaphore, #tpu.memory_space<semaphore_mem>>) src(%dma_wait3A_577 : memref<1024xi32, #tpu.memory_space<hbm>>) dst(%arg6 : memref<1024xi32, #tpu.memory_space<vmem>>)
      tpu.yield
    }) : () -> ()
    %eq3A_7 = arith.constant 0 : i32
    %eq3A_8 = arith.cmpi eq, %arg1, %eq3A_7 : i32
    %convert_element_type3A_9 = arith.extui %eq3A_8 : i1 to i32
    %cond3A_10 = arith.constant 0 : i32
    %cond3A_11 = arith.cmpi ne, %convert_element_type3A_9, %cond3A_10 : i32
    scf.if %cond3A_11 {
      %dma_wait3A_574 = arith.constant 0 : i32
      %dma_wait3A_575 = tpu.memref_slice %arg4[%mul3A_4, %dma_wait3A_574] : memref<2048x128xf32, #tpu.memory_space<hbm>> -> memref<1024x128xf32, #tpu.memory_space<hbm>>
      tpu.wait_dma2 semaphore(%arg36 : memref<!tpu.dma_semaphore, #tpu.memory_space<semaphore_mem>>) src(%dma_wait3A_575 : memref<1024x128xf32, #tpu.memory_space<hbm>>) dst(%arg7 : memref<1024x128xf32, #tpu.memory_space<vmem_shared>>)
    } else {
    }
    %barrier3A = arith.constant 0 : index
    tpu.barrier barrier_id(%barrier3A)
    %dma_start3A = arith.constant 0 : i32
    %dma_start3A_12 = arith.constant 0 : i32
    %dma_start3A_13 = tpu.memref_slice %arg8[%dma_start3A, %dma_start3A_12] : memref<128x128xf32, #tpu.memory_space<vmem>> -> memref<32x128xf32, #tpu.memory_space<vmem>>
    %dma_start3A_14 = arith.constant 0 : i32
    %dma_start3A_15 = arith.constant 0 : i32
    %dma_start3A_16 = tpu.memref_slice %arg7[%dma_start3A_14, %dma_start3A_15] : memref<1024x128xf32, #tpu.memory_space<vmem_shared>> -> memref<32x128xf32, #tpu.memory_space<vmem_shared>>
    %dma_start3A_17 = arith.constant 0 : i32
    %dma_start3A_18 = arith.constant 0 : i32
    %dma_start3A_19 = tpu.memref_slice %arg8[%dma_start3A_17, %dma_start3A_18] : memref<128x128xf32, #tpu.memory_space<vmem>> -> memref<32x128xf32, #tpu.memory_space<vmem>>
    %dma_start3A_20 = arith.constant 0 : i32
    %dma_start3A_21 = arith.constant 0 : i32
    %dma_start3A_22 = tpu.memref_slice %arg7[%dma_start3A_20, %dma_start3A_21] : memref<1024x128xf32, #tpu.memory_space<vmem_shared>> -> memref<32x128xf32, #tpu.memory_space<vmem_shared>>
    tpu.enqueue_dma source(%dma_start3A_22 : memref<32x128xf32, #tpu.memory_space<vmem_shared>>) target(%dma_start3A_19 : memref<32x128xf32, #tpu.memory_space<vmem>>) target_semaphore(%arg15 : memref<!tpu.dma_semaphore, #tpu.memory_space<semaphore_mem>>)
    %dma_start3A_23 = arith.constant 0 : i32
    %dma_start3A_24 = arith.constant 0 : i32
    %dma_start3A_25 = tpu.memref_slice %arg9[%dma_start3A_23, %dma_start3A_24] : memref<128x128xf32, #tpu.memory_space<vmem>> -> memref<32x128xf32, #tpu.memory_space<vmem>>
    %dma_start3A_26 = arith.constant 32 : i32
    %dma_start3A_27 = arith.constant 0 : i32
    %dma_start3A_28 = tpu.memref_slice %arg7[%dma_start3A_26, %dma_start3A_27] : memref<1024x128xf32, #tpu.memory_space<vmem_shared>> -> memref<32x128xf32, #tpu.memory_space<vmem_shared>>
    %dma_start3A_29 = arith.constant 0 : i32
    %dma_start3A_30 = arith.constant 0 : i32
    %dma_start3A_31 = tpu.memref_slice %arg9[%dma_start3A_29, %dma_start3A_30] : memref<128x128xf32, #tpu.memory_space<vmem>> -> memref<32x128xf32, #tpu.memory_space<vmem>>
    %dma_start3A_32 = arith.constant 32 : i32
    %dma_start3A_33 = arith.constant 0 : i32
    %dma_start3A_34 = tpu.memref_slice %arg7[%dma_start3A_32, %dma_start3A_33] : memref<1024x128xf32, #tpu.memory_space<vmem_shared>> -> memref<32x128xf32, #tpu.memory_space<vmem_shared>>
    tpu.enqueue_dma source(%dma_start3A_34 : memref<32x128xf32, #tpu.memory_space<vmem_shared>>) target(%dma_start3A_31 : memref<32x128xf32, #tpu.memory_space<vmem>>) target_semaphore(%arg16 : memref<!tpu.dma_semaphore, #tpu.memory_space<semaphore_mem>>)
    %dma_start3A_35 = arith.constant 0 : i32
    %dma_start3A_36 = arith.constant 0 : i32
    %dma_start3A_37 = tpu.memref_slice %arg10[%dma_start3A_35, %dma_start3A_36] : memref<128x128xf32, #tpu.memory_space<vmem>> -> memref<64x128xf32, #tpu.memory_space<vmem>>
    %dma_start3A_38 = arith.constant 64 : i32
    %dma_start3A_39 = arith.constant 0 : i32
    %dma_start3A_40 = tpu.memref_slice %arg7[%dma_start3A_38, %dma_start3A_39] : memref<1024x128xf32, #tpu.memory_space<vmem_shared>> -> memref<64x128xf32, #tpu.memory_space<vmem_shared>>
    %dma_start3A_41 = arith.constant 0 : i32
    %dma_start3A_42 = arith.constant 0 : i32
    %dma_start3A_43 = tpu.memref_slice %arg10[%dma_start3A_41, %dma_start3A_42] : memref<128x128xf32, #tpu.memory_space<vmem>> -> memref<64x128xf32, #tpu.memory_space<vmem>>
    %dma_start3A_44 = arith.constant 64 : i32
    %dma_start3A_45 = arith.constant 0 : i32
    %dma_start3A_46 = tpu.memref_slice %arg7[%dma_start3A_44, %dma_start3A_45] : memref<1024x128xf32, #tpu.memory_space<vmem_shared>> -> memref<64x128xf32, #tpu.memory_space<vmem_shared>>
    tpu.enqueue_dma source(%dma_start3A_46 : memref<64x128xf32, #tpu.memory_space<vmem_shared>>) target(%dma_start3A_43 : memref<64x128xf32, #tpu.memory_space<vmem>>) target_semaphore(%arg17 : memref<!tpu.dma_semaphore, #tpu.memory_space<semaphore_mem>>)
    %dma_start3A_47 = arith.constant 128 : i32
    %dma_start3A_48 = arith.constant 0 : i32
    %dma_start3A_49 = tpu.memref_slice %arg7[%dma_start3A_47, %dma_start3A_48] : memref<1024x128xf32, #tpu.memory_space<vmem_shared>> -> memref<128x128xf32, #tpu.memory_space<vmem_shared>>
    %dma_start3A_50 = arith.constant 128 : i32
    %dma_start3A_51 = arith.constant 0 : i32
    %dma_start3A_52 = tpu.memref_slice %arg7[%dma_start3A_50, %dma_start3A_51] : memref<1024x128xf32, #tpu.memory_space<vmem_shared>> -> memref<128x128xf32, #tpu.memory_space<vmem_shared>>
    tpu.enqueue_dma source(%dma_start3A_52 : memref<128x128xf32, #tpu.memory_space<vmem_shared>>) target(%arg11 : memref<128x128xf32, #tpu.memory_space<vmem>>) target_semaphore(%arg18 : memref<!tpu.dma_semaphore, #tpu.memory_space<semaphore_mem>>)
    %dma_start3A_53 = arith.constant 256 : i32
    %dma_start3A_54 = arith.constant 0 : i32
    %dma_start3A_55 = tpu.memref_slice %arg7[%dma_start3A_53, %dma_start3A_54] : memref<1024x128xf32, #tpu.memory_space<vmem_shared>> -> memref<128x128xf32, #tpu.memory_space<vmem_shared>>
    %dma_start3A_56 = arith.constant 256 : i32
    %dma_start3A_57 = arith.constant 0 : i32
    %dma_start3A_58 = tpu.memref_slice %arg7[%dma_start3A_56, %dma_start3A_57] : memref<1024x128xf32, #tpu.memory_space<vmem_shared>> -> memref<128x128xf32, #tpu.memory_space<vmem_shared>>
    tpu.enqueue_dma source(%dma_start3A_58 : memref<128x128xf32, #tpu.memory_space<vmem_shared>>) target(%arg12 : memref<128x128xf32, #tpu.memory_space<vmem>>) target_semaphore(%arg19 : memref<!tpu.dma_semaphore, #tpu.memory_space<semaphore_mem>>)
    %dma_start3A_59 = arith.constant 384 : i32
    %dma_start3A_60 = arith.constant 0 : i32
    %dma_start3A_61 = tpu.memref_slice %arg7[%dma_start3A_59, %dma_start3A_60] : memref<1024x128xf32, #tpu.memory_space<vmem_shared>> -> memref<128x128xf32, #tpu.memory_space<vmem_shared>>
    %dma_start3A_62 = arith.constant 384 : i32
    %dma_start3A_63 = arith.constant 0 : i32
    %dma_start3A_64 = tpu.memref_slice %arg7[%dma_start3A_62, %dma_start3A_63] : memref<1024x128xf32, #tpu.memory_space<vmem_shared>> -> memref<128x128xf32, #tpu.memory_space<vmem_shared>>
    tpu.enqueue_dma source(%dma_start3A_64 : memref<128x128xf32, #tpu.memory_space<vmem_shared>>) target(%arg13 : memref<128x128xf32, #tpu.memory_space<vmem>>) target_semaphore(%arg20 : memref<!tpu.dma_semaphore, #tpu.memory_space<semaphore_mem>>)
    %dma_start3A_65 = arith.constant 512 : i32
    %dma_start3A_66 = arith.constant 0 : i32
    %dma_start3A_67 = tpu.memref_slice %arg7[%dma_start3A_65, %dma_start3A_66] : memref<1024x128xf32, #tpu.memory_space<vmem_shared>> -> memref<128x128xf32, #tpu.memory_space<vmem_shared>>
    %dma_start3A_68 = arith.constant 512 : i32
    %dma_start3A_69 = arith.constant 0 : i32
    %dma_start3A_70 = tpu.memref_slice %arg7[%dma_start3A_68, %dma_start3A_69] : memref<1024x128xf32, #tpu.memory_space<vmem_shared>> -> memref<128x128xf32, #tpu.memory_space<vmem_shared>>
    tpu.enqueue_dma source(%dma_start3A_70 : memref<128x128xf32, #tpu.memory_space<vmem_shared>>) target(%arg14 : memref<128x128xf32, #tpu.memory_space<vmem>>) target_semaphore(%arg21 : memref<!tpu.dma_semaphore, #tpu.memory_space<semaphore_mem>>)
    %dma_wait3A = arith.constant 0 : i32
    %dma_wait3A_71 = arith.constant 0 : i32
    %dma_wait3A_72 = tpu.memref_slice %arg8[%dma_wait3A, %dma_wait3A_71] : memref<128x128xf32, #tpu.memory_space<vmem>> -> memref<32x128xf32, #tpu.memory_space<vmem>>
    %dma_wait3A_73 = arith.constant 0 : i32
    %dma_wait3A_74 = arith.constant 0 : i32
    %dma_wait3A_75 = tpu.memref_slice %arg7[%dma_wait3A_73, %dma_wait3A_74] : memref<1024x128xf32, #tpu.memory_space<vmem_shared>> -> memref<32x128xf32, #tpu.memory_space<vmem_shared>>
    %dma_wait3A_76 = arith.constant 0 : i32
    %dma_wait3A_77 = arith.constant 0 : i32
    %dma_wait3A_78 = tpu.memref_slice %arg8[%dma_wait3A_76, %dma_wait3A_77] : memref<128x128xf32, #tpu.memory_space<vmem>> -> memref<32x128xf32, #tpu.memory_space<vmem>>
    %dma_wait3A_79 = arith.constant 0 : i32
    %dma_wait3A_80 = arith.constant 0 : i32
    %dma_wait3A_81 = tpu.memref_slice %arg7[%dma_wait3A_79, %dma_wait3A_80] : memref<1024x128xf32, #tpu.memory_space<vmem_shared>> -> memref<32x128xf32, #tpu.memory_space<vmem_shared>>
    tpu.wait_dma2 semaphore(%arg15 : memref<!tpu.dma_semaphore, #tpu.memory_space<semaphore_mem>>) src(%dma_wait3A_81 : memref<32x128xf32, #tpu.memory_space<vmem_shared>>) dst(%dma_wait3A_78 : memref<32x128xf32, #tpu.memory_space<vmem>>)
    %dma_start3A_82 = arith.constant 0 : i32
    %dma_start3A_83 = arith.constant 0 : i32
    %dma_start3A_84 = tpu.memref_slice %arg8[%dma_start3A_82, %dma_start3A_83] : memref<128x128xf32, #tpu.memory_space<vmem>> -> memref<32x128xf32, #tpu.memory_space<vmem>>
    %dma_start3A_85 = arith.constant 0 : i32
    %dma_start3A_86 = tpu.memref_slice %arg6[%dma_start3A_85] : memref<1024xi32, #tpu.memory_space<vmem>> -> memref<32xi32, #tpu.memory_space<vmem>>
    %dma_start3A_87 = arith.constant 0 : i32
    %dma_start3A_88 = arith.constant 0 : i32
    %dma_start3A_89 = tpu.memref_slice %arg2[%dma_start3A_87, %dma_start3A_88] : memref<100000x128xf32, #tpu.memory_space<hbm>> -> memref<100000x128xf32, #tpu.memory_space<hbm>>
    tpu.enqueue_indirect_dma source(%dma_start3A_89 : memref<100000x128xf32, #tpu.memory_space<hbm>>) target(%dma_start3A_84 : memref<32x128xf32, #tpu.memory_space<vmem>>) offsets(%dma_start3A_86 : memref<32xi32, #tpu.memory_space<vmem>>) semaphore(%arg22 : memref<!tpu.dma_semaphore, #tpu.memory_space<semaphore_mem>>) {add = true}
    %dma_wait3A_90 = arith.constant 0 : i32
    %dma_wait3A_91 = arith.constant 0 : i32
    %dma_wait3A_92 = tpu.memref_slice %arg9[%dma_wait3A_90, %dma_wait3A_91] : memref<128x128xf32, #tpu.memory_space<vmem>> -> memref<32x128xf32, #tpu.memory_space<vmem>>
    %dma_wait3A_93 = arith.constant 32 : i32
    %dma_wait3A_94 = arith.constant 0 : i32
    %dma_wait3A_95 = tpu.memref_slice %arg7[%dma_wait3A_93, %dma_wait3A_94] : memref<1024x128xf32, #tpu.memory_space<vmem_shared>> -> memref<32x128xf32, #tpu.memory_space<vmem_shared>>
    %dma_wait3A_96 = arith.constant 0 : i32
    %dma_wait3A_97 = arith.constant 0 : i32
    %dma_wait3A_98 = tpu.memref_slice %arg9[%dma_wait3A_96, %dma_wait3A_97] : memref<128x128xf32, #tpu.memory_space<vmem>> -> memref<32x128xf32, #tpu.memory_space<vmem>>
    %dma_wait3A_99 = arith.constant 32 : i32
    %dma_wait3A_100 = arith.constant 0 : i32
    %dma_wait3A_101 = tpu.memref_slice %arg7[%dma_wait3A_99, %dma_wait3A_100] : memref<1024x128xf32, #tpu.memory_space<vmem_shared>> -> memref<32x128xf32, #tpu.memory_space<vmem_shared>>
    tpu.wait_dma2 semaphore(%arg16 : memref<!tpu.dma_semaphore, #tpu.memory_space<semaphore_mem>>) src(%dma_wait3A_101 : memref<32x128xf32, #tpu.memory_space<vmem_shared>>) dst(%dma_wait3A_98 : memref<32x128xf32, #tpu.memory_space<vmem>>)
    %dma_start3A_102 = arith.constant 0 : i32
    %dma_start3A_103 = arith.constant 0 : i32
    %dma_start3A_104 = tpu.memref_slice %arg9[%dma_start3A_102, %dma_start3A_103] : memref<128x128xf32, #tpu.memory_space<vmem>> -> memref<32x128xf32, #tpu.memory_space<vmem>>
    %dma_start3A_105 = arith.constant 32 : i32
    %dma_start3A_106 = tpu.memref_slice %arg6[%dma_start3A_105] : memref<1024xi32, #tpu.memory_space<vmem>> -> memref<32xi32, #tpu.memory_space<vmem>>
    %dma_start3A_107 = arith.constant 0 : i32
    %dma_start3A_108 = arith.constant 0 : i32
    %dma_start3A_109 = tpu.memref_slice %arg2[%dma_start3A_107, %dma_start3A_108] : memref<100000x128xf32, #tpu.memory_space<hbm>> -> memref<100000x128xf32, #tpu.memory_space<hbm>>
    tpu.enqueue_indirect_dma source(%dma_start3A_109 : memref<100000x128xf32, #tpu.memory_space<hbm>>) target(%dma_start3A_104 : memref<32x128xf32, #tpu.memory_space<vmem>>) offsets(%dma_start3A_106 : memref<32xi32, #tpu.memory_space<vmem>>) semaphore(%arg23 : memref<!tpu.dma_semaphore, #tpu.memory_space<semaphore_mem>>) {add = true}
    %dma_wait3A_110 = arith.constant 0 : i32
    %dma_wait3A_111 = arith.constant 0 : i32
    %dma_wait3A_112 = tpu.memref_slice %arg10[%dma_wait3A_110, %dma_wait3A_111] : memref<128x128xf32, #tpu.memory_space<vmem>> -> memref<64x128xf32, #tpu.memory_space<vmem>>
    %dma_wait3A_113 = arith.constant 64 : i32
    %dma_wait3A_114 = arith.constant 0 : i32
    %dma_wait3A_115 = tpu.memref_slice %arg7[%dma_wait3A_113, %dma_wait3A_114] : memref<1024x128xf32, #tpu.memory_space<vmem_shared>> -> memref<64x128xf32, #tpu.memory_space<vmem_shared>>
    %dma_wait3A_116 = arith.constant 0 : i32
    %dma_wait3A_117 = arith.constant 0 : i32
    %dma_wait3A_118 = tpu.memref_slice %arg10[%dma_wait3A_116, %dma_wait3A_117] : memref<128x128xf32, #tpu.memory_space<vmem>> -> memref<64x128xf32, #tpu.memory_space<vmem>>
    %dma_wait3A_119 = arith.constant 64 : i32
    %dma_wait3A_120 = arith.constant 0 : i32
    %dma_wait3A_121 = tpu.memref_slice %arg7[%dma_wait3A_119, %dma_wait3A_120] : memref<1024x128xf32, #tpu.memory_space<vmem_shared>> -> memref<64x128xf32, #tpu.memory_space<vmem_shared>>
    tpu.wait_dma2 semaphore(%arg17 : memref<!tpu.dma_semaphore, #tpu.memory_space<semaphore_mem>>) src(%dma_wait3A_121 : memref<64x128xf32, #tpu.memory_space<vmem_shared>>) dst(%dma_wait3A_118 : memref<64x128xf32, #tpu.memory_space<vmem>>)
    %dma_start3A_122 = arith.constant 0 : i32
    %dma_start3A_123 = arith.constant 0 : i32
    %dma_start3A_124 = tpu.memref_slice %arg10[%dma_start3A_122, %dma_start3A_123] : memref<128x128xf32, #tpu.memory_space<vmem>> -> memref<64x128xf32, #tpu.memory_space<vmem>>
    %dma_start3A_125 = arith.constant 64 : i32
    %dma_start3A_126 = tpu.memref_slice %arg6[%dma_start3A_125] : memref<1024xi32, #tpu.memory_space<vmem>> -> memref<64xi32, #tpu.memory_space<vmem>>
    %dma_start3A_127 = arith.constant 0 : i32
    %dma_start3A_128 = arith.constant 0 : i32
    %dma_start3A_129 = tpu.memref_slice %arg2[%dma_start3A_127, %dma_start3A_128] : memref<100000x128xf32, #tpu.memory_space<hbm>> -> memref<100000x128xf32, #tpu.memory_space<hbm>>
    tpu.enqueue_indirect_dma source(%dma_start3A_129 : memref<100000x128xf32, #tpu.memory_space<hbm>>) target(%dma_start3A_124 : memref<64x128xf32, #tpu.memory_space<vmem>>) offsets(%dma_start3A_126 : memref<64xi32, #tpu.memory_space<vmem>>) semaphore(%arg24 : memref<!tpu.dma_semaphore, #tpu.memory_space<semaphore_mem>>) {add = true}
    %dma_wait3A_130 = arith.constant 128 : i32
    %dma_wait3A_131 = arith.constant 0 : i32
    %dma_wait3A_132 = tpu.memref_slice %arg7[%dma_wait3A_130, %dma_wait3A_131] : memref<1024x128xf32, #tpu.memory_space<vmem_shared>> -> memref<128x128xf32, #tpu.memory_space<vmem_shared>>
    %dma_wait3A_133 = arith.constant 128 : i32
    %dma_wait3A_134 = arith.constant 0 : i32
    %dma_wait3A_135 = tpu.memref_slice %arg7[%dma_wait3A_133, %dma_wait3A_134] : memref<1024x128xf32, #tpu.memory_space<vmem_shared>> -> memref<128x128xf32, #tpu.memory_space<vmem_shared>>
    tpu.wait_dma2 semaphore(%arg18 : memref<!tpu.dma_semaphore, #tpu.memory_space<semaphore_mem>>) src(%dma_wait3A_135 : memref<128x128xf32, #tpu.memory_space<vmem_shared>>) dst(%arg11 : memref<128x128xf32, #tpu.memory_space<vmem>>)
    %dma_start3A_136 = arith.constant 128 : i32
    %dma_start3A_137 = tpu.memref_slice %arg6[%dma_start3A_136] : memref<1024xi32, #tpu.memory_space<vmem>> -> memref<128xi32, #tpu.memory_space<vmem>>
    %dma_start3A_138 = arith.constant 0 : i32
    %dma_start3A_139 = arith.constant 0 : i32
    %dma_start3A_140 = tpu.memref_slice %arg2[%dma_start3A_138, %dma_start3A_139] : memref<100000x128xf32, #tpu.memory_space<hbm>> -> memref<100000x128xf32, #tpu.memory_space<hbm>>
    tpu.enqueue_indirect_dma source(%dma_start3A_140 : memref<100000x128xf32, #tpu.memory_space<hbm>>) target(%arg11 : memref<128x128xf32, #tpu.memory_space<vmem>>) offsets(%dma_start3A_137 : memref<128xi32, #tpu.memory_space<vmem>>) semaphore(%arg25 : memref<!tpu.dma_semaphore, #tpu.memory_space<semaphore_mem>>) {add = true}
    %dma_wait3A_141 = arith.constant 256 : i32
    %dma_wait3A_142 = arith.constant 0 : i32
    %dma_wait3A_143 = tpu.memref_slice %arg7[%dma_wait3A_141, %dma_wait3A_142] : memref<1024x128xf32, #tpu.memory_space<vmem_shared>> -> memref<128x128xf32, #tpu.memory_space<vmem_shared>>
    %dma_wait3A_144 = arith.constant 256 : i32
    %dma_wait3A_145 = arith.constant 0 : i32
    %dma_wait3A_146 = tpu.memref_slice %arg7[%dma_wait3A_144, %dma_wait3A_145] : memref<1024x128xf32, #tpu.memory_space<vmem_shared>> -> memref<128x128xf32, #tpu.memory_space<vmem_shared>>
    tpu.wait_dma2 semaphore(%arg19 : memref<!tpu.dma_semaphore, #tpu.memory_space<semaphore_mem>>) src(%dma_wait3A_146 : memref<128x128xf32, #tpu.memory_space<vmem_shared>>) dst(%arg12 : memref<128x128xf32, #tpu.memory_space<vmem>>)
    %dma_start3A_147 = arith.constant 256 : i32
    %dma_start3A_148 = tpu.memref_slice %arg6[%dma_start3A_147] : memref<1024xi32, #tpu.memory_space<vmem>> -> memref<128xi32, #tpu.memory_space<vmem>>
    %dma_start3A_149 = arith.constant 0 : i32
    %dma_start3A_150 = arith.constant 0 : i32
    %dma_start3A_151 = tpu.memref_slice %arg2[%dma_start3A_149, %dma_start3A_150] : memref<100000x128xf32, #tpu.memory_space<hbm>> -> memref<100000x128xf32, #tpu.memory_space<hbm>>
    tpu.enqueue_indirect_dma source(%dma_start3A_151 : memref<100000x128xf32, #tpu.memory_space<hbm>>) target(%arg12 : memref<128x128xf32, #tpu.memory_space<vmem>>) offsets(%dma_start3A_148 : memref<128xi32, #tpu.memory_space<vmem>>) semaphore(%arg26 : memref<!tpu.dma_semaphore, #tpu.memory_space<semaphore_mem>>) {add = true}
    %dma_wait3A_152 = arith.constant 384 : i32
    %dma_wait3A_153 = arith.constant 0 : i32
    %dma_wait3A_154 = tpu.memref_slice %arg7[%dma_wait3A_152, %dma_wait3A_153] : memref<1024x128xf32, #tpu.memory_space<vmem_shared>> -> memref<128x128xf32, #tpu.memory_space<vmem_shared>>
    %dma_wait3A_155 = arith.constant 384 : i32
    %dma_wait3A_156 = arith.constant 0 : i32
    %dma_wait3A_157 = tpu.memref_slice %arg7[%dma_wait3A_155, %dma_wait3A_156] : memref<1024x128xf32, #tpu.memory_space<vmem_shared>> -> memref<128x128xf32, #tpu.memory_space<vmem_shared>>
    tpu.wait_dma2 semaphore(%arg20 : memref<!tpu.dma_semaphore, #tpu.memory_space<semaphore_mem>>) src(%dma_wait3A_157 : memref<128x128xf32, #tpu.memory_space<vmem_shared>>) dst(%arg13 : memref<128x128xf32, #tpu.memory_space<vmem>>)
    %dma_start3A_158 = arith.constant 384 : i32
    %dma_start3A_159 = tpu.memref_slice %arg6[%dma_start3A_158] : memref<1024xi32, #tpu.memory_space<vmem>> -> memref<128xi32, #tpu.memory_space<vmem>>
    %dma_start3A_160 = arith.constant 0 : i32
    %dma_start3A_161 = arith.constant 0 : i32
    %dma_start3A_162 = tpu.memref_slice %arg2[%dma_start3A_160, %dma_start3A_161] : memref<100000x128xf32, #tpu.memory_space<hbm>> -> memref<100000x128xf32, #tpu.memory_space<hbm>>
    tpu.enqueue_indirect_dma source(%dma_start3A_162 : memref<100000x128xf32, #tpu.memory_space<hbm>>) target(%arg13 : memref<128x128xf32, #tpu.memory_space<vmem>>) offsets(%dma_start3A_159 : memref<128xi32, #tpu.memory_space<vmem>>) semaphore(%arg27 : memref<!tpu.dma_semaphore, #tpu.memory_space<semaphore_mem>>) {add = true}
    %dma_wait3A_163 = arith.constant 0 : i32
    %dma_wait3A_164 = arith.constant 0 : i32
    %dma_wait3A_165 = tpu.memref_slice %arg8[%dma_wait3A_163, %dma_wait3A_164] : memref<128x128xf32, #tpu.memory_space<vmem>> -> memref<32x128xf32, #tpu.memory_space<vmem>>
    %dma_wait3A_166 = arith.constant 0 : i32
    %dma_wait3A_167 = tpu.memref_slice %arg6[%dma_wait3A_166] : memref<1024xi32, #tpu.memory_space<vmem>> -> memref<32xi32, #tpu.memory_space<vmem>>
    %dma_wait3A_168 = arith.constant 0 : i32
    %dma_wait3A_169 = arith.constant 0 : i32
    %dma_wait3A_170 = tpu.memref_slice %arg2[%dma_wait3A_168, %dma_wait3A_169] : memref<100000x128xf32, #tpu.memory_space<hbm>> -> memref<100000x128xf32, #tpu.memory_space<hbm>>
    tpu.wait_indirect_dma semaphore(%arg22 : memref<!tpu.dma_semaphore, #tpu.memory_space<semaphore_mem>>) src(%dma_wait3A_170 : memref<100000x128xf32, #tpu.memory_space<hbm>>) dst(%dma_wait3A_165 : memref<32x128xf32, #tpu.memory_space<vmem>>)
    %add3A_171 = arith.constant 0 : i32
    %add3A_172 = arith.addi %mul3A_2, %add3A_171 : i32
    %dma_start3A_173 = arith.constant 0 : i32
    %dma_start3A_174 = arith.constant 0 : i32
    %dma_start3A_175 = tpu.memref_slice %arg8[%dma_start3A_173, %dma_start3A_174] : memref<128x128xf32, #tpu.memory_space<vmem>> -> memref<32x128xf32, #tpu.memory_space<vmem>>
    %dma_start3A_176 = arith.constant 0 : i32
    %dma_start3A_177 = tpu.memref_slice %arg5[%add3A_172, %dma_start3A_176] : memref<32768x128xf32, #tpu.memory_space<hbm>> -> memref<32x128xf32, #tpu.memory_space<hbm>>
    %dma_start3A_178 = arith.constant 0 : i32
    %dma_start3A_179 = tpu.memref_slice %arg5[%add3A_172, %dma_start3A_178] : memref<32768x128xf32, #tpu.memory_space<hbm>> -> memref<32x128xf32, #tpu.memory_space<hbm>>
    %dma_start3A_180 = arith.constant 0 : i32
    %dma_start3A_181 = arith.constant 0 : i32
    %dma_start3A_182 = tpu.memref_slice %arg8[%dma_start3A_180, %dma_start3A_181] : memref<128x128xf32, #tpu.memory_space<vmem>> -> memref<32x128xf32, #tpu.memory_space<vmem>>
    tpu.enqueue_dma source(%dma_start3A_182 : memref<32x128xf32, #tpu.memory_space<vmem>>) target(%dma_start3A_179 : memref<32x128xf32, #tpu.memory_space<hbm>>) target_semaphore(%arg29 : memref<!tpu.dma_semaphore, #tpu.memory_space<semaphore_mem>>)
    %dma_wait3A_183 = arith.constant 512 : i32
    %dma_wait3A_184 = arith.constant 0 : i32
    %dma_wait3A_185 = tpu.memref_slice %arg7[%dma_wait3A_183, %dma_wait3A_184] : memref<1024x128xf32, #tpu.memory_space<vmem_shared>> -> memref<128x128xf32, #tpu.memory_space<vmem_shared>>
    %dma_wait3A_186 = arith.constant 512 : i32
    %dma_wait3A_187 = arith.constant 0 : i32
    %dma_wait3A_188 = tpu.memref_slice %arg7[%dma_wait3A_186, %dma_wait3A_187] : memref<1024x128xf32, #tpu.memory_space<vmem_shared>> -> memref<128x128xf32, #tpu.memory_space<vmem_shared>>
    tpu.wait_dma2 semaphore(%arg21 : memref<!tpu.dma_semaphore, #tpu.memory_space<semaphore_mem>>) src(%dma_wait3A_188 : memref<128x128xf32, #tpu.memory_space<vmem_shared>>) dst(%arg14 : memref<128x128xf32, #tpu.memory_space<vmem>>)
    %dma_start3A_189 = arith.constant 512 : i32
    %dma_start3A_190 = tpu.memref_slice %arg6[%dma_start3A_189] : memref<1024xi32, #tpu.memory_space<vmem>> -> memref<128xi32, #tpu.memory_space<vmem>>
    %dma_start3A_191 = arith.constant 0 : i32
    %dma_start3A_192 = arith.constant 0 : i32
    %dma_start3A_193 = tpu.memref_slice %arg2[%dma_start3A_191, %dma_start3A_192] : memref<100000x128xf32, #tpu.memory_space<hbm>> -> memref<100000x128xf32, #tpu.memory_space<hbm>>
    tpu.enqueue_indirect_dma source(%dma_start3A_193 : memref<100000x128xf32, #tpu.memory_space<hbm>>) target(%arg14 : memref<128x128xf32, #tpu.memory_space<vmem>>) offsets(%dma_start3A_190 : memref<128xi32, #tpu.memory_space<vmem>>) semaphore(%arg28 : memref<!tpu.dma_semaphore, #tpu.memory_space<semaphore_mem>>) {add = true}
    %dma_wait3A_194 = arith.constant 0 : i32
    %dma_wait3A_195 = arith.constant 0 : i32
    %dma_wait3A_196 = tpu.memref_slice %arg9[%dma_wait3A_194, %dma_wait3A_195] : memref<128x128xf32, #tpu.memory_space<vmem>> -> memref<32x128xf32, #tpu.memory_space<vmem>>
    %dma_wait3A_197 = arith.constant 32 : i32
    %dma_wait3A_198 = tpu.memref_slice %arg6[%dma_wait3A_197] : memref<1024xi32, #tpu.memory_space<vmem>> -> memref<32xi32, #tpu.memory_space<vmem>>
    %dma_wait3A_199 = arith.constant 0 : i32
    %dma_wait3A_200 = arith.constant 0 : i32
    %dma_wait3A_201 = tpu.memref_slice %arg2[%dma_wait3A_199, %dma_wait3A_200] : memref<100000x128xf32, #tpu.memory_space<hbm>> -> memref<100000x128xf32, #tpu.memory_space<hbm>>
    tpu.wait_indirect_dma semaphore(%arg23 : memref<!tpu.dma_semaphore, #tpu.memory_space<semaphore_mem>>) src(%dma_wait3A_201 : memref<100000x128xf32, #tpu.memory_space<hbm>>) dst(%dma_wait3A_196 : memref<32x128xf32, #tpu.memory_space<vmem>>)
    %add3A_202 = arith.constant 32 : i32
    %add3A_203 = arith.addi %mul3A_2, %add3A_202 : i32
    %dma_start3A_204 = arith.constant 0 : i32
    %dma_start3A_205 = arith.constant 0 : i32
    %dma_start3A_206 = tpu.memref_slice %arg9[%dma_start3A_204, %dma_start3A_205] : memref<128x128xf32, #tpu.memory_space<vmem>> -> memref<32x128xf32, #tpu.memory_space<vmem>>
    %dma_start3A_207 = arith.constant 0 : i32
    %dma_start3A_208 = tpu.memref_slice %arg5[%add3A_203, %dma_start3A_207] : memref<32768x128xf32, #tpu.memory_space<hbm>> -> memref<32x128xf32, #tpu.memory_space<hbm>>
    %dma_start3A_209 = arith.constant 0 : i32
    %dma_start3A_210 = tpu.memref_slice %arg5[%add3A_203, %dma_start3A_209] : memref<32768x128xf32, #tpu.memory_space<hbm>> -> memref<32x128xf32, #tpu.memory_space<hbm>>
    %dma_start3A_211 = arith.constant 0 : i32
    %dma_start3A_212 = arith.constant 0 : i32
    %dma_start3A_213 = tpu.memref_slice %arg9[%dma_start3A_211, %dma_start3A_212] : memref<128x128xf32, #tpu.memory_space<vmem>> -> memref<32x128xf32, #tpu.memory_space<vmem>>
    tpu.enqueue_dma source(%dma_start3A_213 : memref<32x128xf32, #tpu.memory_space<vmem>>) target(%dma_start3A_210 : memref<32x128xf32, #tpu.memory_space<hbm>>) target_semaphore(%arg30 : memref<!tpu.dma_semaphore, #tpu.memory_space<semaphore_mem>>)
    %dma_wait3A_214 = arith.constant 0 : i32
    %dma_wait3A_215 = arith.constant 0 : i32
    %dma_wait3A_216 = tpu.memref_slice %arg8[%dma_wait3A_214, %dma_wait3A_215] : memref<128x128xf32, #tpu.memory_space<vmem>> -> memref<32x128xf32, #tpu.memory_space<vmem>>
    %dma_wait3A_217 = arith.constant 0 : i32
    %dma_wait3A_218 = tpu.memref_slice %arg5[%add3A_172, %dma_wait3A_217] : memref<32768x128xf32, #tpu.memory_space<hbm>> -> memref<32x128xf32, #tpu.memory_space<hbm>>
    %dma_wait3A_219 = arith.constant 0 : i32
    %dma_wait3A_220 = tpu.memref_slice %arg5[%add3A_172, %dma_wait3A_219] : memref<32768x128xf32, #tpu.memory_space<hbm>> -> memref<32x128xf32, #tpu.memory_space<hbm>>
    %dma_wait3A_221 = arith.constant 0 : i32
    %dma_wait3A_222 = arith.constant 0 : i32
    %dma_wait3A_223 = tpu.memref_slice %arg8[%dma_wait3A_221, %dma_wait3A_222] : memref<128x128xf32, #tpu.memory_space<vmem>> -> memref<32x128xf32, #tpu.memory_space<vmem>>
    tpu.wait_dma2 semaphore(%arg29 : memref<!tpu.dma_semaphore, #tpu.memory_space<semaphore_mem>>) src(%dma_wait3A_223 : memref<32x128xf32, #tpu.memory_space<vmem>>) dst(%dma_wait3A_220 : memref<32x128xf32, #tpu.memory_space<hbm>>)
    %dma_start3A_224 = arith.constant 640 : i32
    %dma_start3A_225 = arith.constant 0 : i32
    %dma_start3A_226 = tpu.memref_slice %arg7[%dma_start3A_224, %dma_start3A_225] : memref<1024x128xf32, #tpu.memory_space<vmem_shared>> -> memref<128x128xf32, #tpu.memory_space<vmem_shared>>
    %dma_start3A_227 = arith.constant 640 : i32
    %dma_start3A_228 = arith.constant 0 : i32
    %dma_start3A_229 = tpu.memref_slice %arg7[%dma_start3A_227, %dma_start3A_228] : memref<1024x128xf32, #tpu.memory_space<vmem_shared>> -> memref<128x128xf32, #tpu.memory_space<vmem_shared>>
    tpu.enqueue_dma source(%dma_start3A_229 : memref<128x128xf32, #tpu.memory_space<vmem_shared>>) target(%arg8 : memref<128x128xf32, #tpu.memory_space<vmem>>) target_semaphore(%arg15 : memref<!tpu.dma_semaphore, #tpu.memory_space<semaphore_mem>>)
    %dma_wait3A_230 = arith.constant 640 : i32
    %dma_wait3A_231 = arith.constant 0 : i32
    %dma_wait3A_232 = tpu.memref_slice %arg7[%dma_wait3A_230, %dma_wait3A_231] : memref<1024x128xf32, #tpu.memory_space<vmem_shared>> -> memref<128x128xf32, #tpu.memory_space<vmem_shared>>
    %dma_wait3A_233 = arith.constant 640 : i32
    %dma_wait3A_234 = arith.constant 0 : i32
    %dma_wait3A_235 = tpu.memref_slice %arg7[%dma_wait3A_233, %dma_wait3A_234] : memref<1024x128xf32, #tpu.memory_space<vmem_shared>> -> memref<128x128xf32, #tpu.memory_space<vmem_shared>>
    tpu.wait_dma2 semaphore(%arg15 : memref<!tpu.dma_semaphore, #tpu.memory_space<semaphore_mem>>) src(%dma_wait3A_235 : memref<128x128xf32, #tpu.memory_space<vmem_shared>>) dst(%arg8 : memref<128x128xf32, #tpu.memory_space<vmem>>)
    %dma_start3A_236 = arith.constant 640 : i32
    %dma_start3A_237 = tpu.memref_slice %arg6[%dma_start3A_236] : memref<1024xi32, #tpu.memory_space<vmem>> -> memref<128xi32, #tpu.memory_space<vmem>>
    %dma_start3A_238 = arith.constant 0 : i32
    %dma_start3A_239 = arith.constant 0 : i32
    %dma_start3A_240 = tpu.memref_slice %arg2[%dma_start3A_238, %dma_start3A_239] : memref<100000x128xf32, #tpu.memory_space<hbm>> -> memref<100000x128xf32, #tpu.memory_space<hbm>>
    tpu.enqueue_indirect_dma source(%dma_start3A_240 : memref<100000x128xf32, #tpu.memory_space<hbm>>) target(%arg8 : memref<128x128xf32, #tpu.memory_space<vmem>>) offsets(%dma_start3A_237 : memref<128xi32, #tpu.memory_space<vmem>>) semaphore(%arg22 : memref<!tpu.dma_semaphore, #tpu.memory_space<semaphore_mem>>) {add = true}
    %dma_wait3A_241 = arith.constant 0 : i32
    %dma_wait3A_242 = arith.constant 0 : i32
    %dma_wait3A_243 = tpu.memref_slice %arg10[%dma_wait3A_241, %dma_wait3A_242] : memref<128x128xf32, #tpu.memory_space<vmem>> -> memref<64x128xf32, #tpu.memory_space<vmem>>
    %dma_wait3A_244 = arith.constant 64 : i32
    %dma_wait3A_245 = tpu.memref_slice %arg6[%dma_wait3A_244] : memref<1024xi32, #tpu.memory_space<vmem>> -> memref<64xi32, #tpu.memory_space<vmem>>
    %dma_wait3A_246 = arith.constant 0 : i32
    %dma_wait3A_247 = arith.constant 0 : i32
    %dma_wait3A_248 = tpu.memref_slice %arg2[%dma_wait3A_246, %dma_wait3A_247] : memref<100000x128xf32, #tpu.memory_space<hbm>> -> memref<100000x128xf32, #tpu.memory_space<hbm>>
    tpu.wait_indirect_dma semaphore(%arg24 : memref<!tpu.dma_semaphore, #tpu.memory_space<semaphore_mem>>) src(%dma_wait3A_248 : memref<100000x128xf32, #tpu.memory_space<hbm>>) dst(%dma_wait3A_243 : memref<64x128xf32, #tpu.memory_space<vmem>>)
    %add3A_249 = arith.constant 64 : i32
    %add3A_250 = arith.addi %mul3A_2, %add3A_249 : i32
    %dma_start3A_251 = arith.constant 0 : i32
    %dma_start3A_252 = arith.constant 0 : i32
    %dma_start3A_253 = tpu.memref_slice %arg10[%dma_start3A_251, %dma_start3A_252] : memref<128x128xf32, #tpu.memory_space<vmem>> -> memref<64x128xf32, #tpu.memory_space<vmem>>
    %dma_start3A_254 = arith.constant 0 : i32
    %dma_start3A_255 = tpu.memref_slice %arg5[%add3A_250, %dma_start3A_254] : memref<32768x128xf32, #tpu.memory_space<hbm>> -> memref<64x128xf32, #tpu.memory_space<hbm>>
    %dma_start3A_256 = arith.constant 0 : i32
    %dma_start3A_257 = tpu.memref_slice %arg5[%add3A_250, %dma_start3A_256] : memref<32768x128xf32, #tpu.memory_space<hbm>> -> memref<64x128xf32, #tpu.memory_space<hbm>>
    %dma_start3A_258 = arith.constant 0 : i32
    %dma_start3A_259 = arith.constant 0 : i32
    %dma_start3A_260 = tpu.memref_slice %arg10[%dma_start3A_258, %dma_start3A_259] : memref<128x128xf32, #tpu.memory_space<vmem>> -> memref<64x128xf32, #tpu.memory_space<vmem>>
    tpu.enqueue_dma source(%dma_start3A_260 : memref<64x128xf32, #tpu.memory_space<vmem>>) target(%dma_start3A_257 : memref<64x128xf32, #tpu.memory_space<hbm>>) target_semaphore(%arg31 : memref<!tpu.dma_semaphore, #tpu.memory_space<semaphore_mem>>)
    %dma_wait3A_261 = arith.constant 0 : i32
    %dma_wait3A_262 = arith.constant 0 : i32
    %dma_wait3A_263 = tpu.memref_slice %arg9[%dma_wait3A_261, %dma_wait3A_262] : memref<128x128xf32, #tpu.memory_space<vmem>> -> memref<32x128xf32, #tpu.memory_space<vmem>>
    %dma_wait3A_264 = arith.constant 0 : i32
    %dma_wait3A_265 = tpu.memref_slice %arg5[%add3A_203, %dma_wait3A_264] : memref<32768x128xf32, #tpu.memory_space<hbm>> -> memref<32x128xf32, #tpu.memory_space<hbm>>
    %dma_wait3A_266 = arith.constant 0 : i32
    %dma_wait3A_267 = tpu.memref_slice %arg5[%add3A_203, %dma_wait3A_266] : memref<32768x128xf32, #tpu.memory_space<hbm>> -> memref<32x128xf32, #tpu.memory_space<hbm>>
    %dma_wait3A_268 = arith.constant 0 : i32
    %dma_wait3A_269 = arith.constant 0 : i32
    %dma_wait3A_270 = tpu.memref_slice %arg9[%dma_wait3A_268, %dma_wait3A_269] : memref<128x128xf32, #tpu.memory_space<vmem>> -> memref<32x128xf32, #tpu.memory_space<vmem>>
    tpu.wait_dma2 semaphore(%arg30 : memref<!tpu.dma_semaphore, #tpu.memory_space<semaphore_mem>>) src(%dma_wait3A_270 : memref<32x128xf32, #tpu.memory_space<vmem>>) dst(%dma_wait3A_267 : memref<32x128xf32, #tpu.memory_space<hbm>>)
    %dma_start3A_271 = arith.constant 768 : i32
    %dma_start3A_272 = arith.constant 0 : i32
    %dma_start3A_273 = tpu.memref_slice %arg7[%dma_start3A_271, %dma_start3A_272] : memref<1024x128xf32, #tpu.memory_space<vmem_shared>> -> memref<128x128xf32, #tpu.memory_space<vmem_shared>>
    %dma_start3A_274 = arith.constant 768 : i32
    %dma_start3A_275 = arith.constant 0 : i32
    %dma_start3A_276 = tpu.memref_slice %arg7[%dma_start3A_274, %dma_start3A_275] : memref<1024x128xf32, #tpu.memory_space<vmem_shared>> -> memref<128x128xf32, #tpu.memory_space<vmem_shared>>
    tpu.enqueue_dma source(%dma_start3A_276 : memref<128x128xf32, #tpu.memory_space<vmem_shared>>) target(%arg9 : memref<128x128xf32, #tpu.memory_space<vmem>>) target_semaphore(%arg16 : memref<!tpu.dma_semaphore, #tpu.memory_space<semaphore_mem>>)
    %dma_wait3A_277 = arith.constant 768 : i32
    %dma_wait3A_278 = arith.constant 0 : i32
    %dma_wait3A_279 = tpu.memref_slice %arg7[%dma_wait3A_277, %dma_wait3A_278] : memref<1024x128xf32, #tpu.memory_space<vmem_shared>> -> memref<128x128xf32, #tpu.memory_space<vmem_shared>>
    %dma_wait3A_280 = arith.constant 768 : i32
    %dma_wait3A_281 = arith.constant 0 : i32
    %dma_wait3A_282 = tpu.memref_slice %arg7[%dma_wait3A_280, %dma_wait3A_281] : memref<1024x128xf32, #tpu.memory_space<vmem_shared>> -> memref<128x128xf32, #tpu.memory_space<vmem_shared>>
    tpu.wait_dma2 semaphore(%arg16 : memref<!tpu.dma_semaphore, #tpu.memory_space<semaphore_mem>>) src(%dma_wait3A_282 : memref<128x128xf32, #tpu.memory_space<vmem_shared>>) dst(%arg9 : memref<128x128xf32, #tpu.memory_space<vmem>>)
    %dma_start3A_283 = arith.constant 768 : i32
    %dma_start3A_284 = tpu.memref_slice %arg6[%dma_start3A_283] : memref<1024xi32, #tpu.memory_space<vmem>> -> memref<128xi32, #tpu.memory_space<vmem>>
    %dma_start3A_285 = arith.constant 0 : i32
    %dma_start3A_286 = arith.constant 0 : i32
    %dma_start3A_287 = tpu.memref_slice %arg2[%dma_start3A_285, %dma_start3A_286] : memref<100000x128xf32, #tpu.memory_space<hbm>> -> memref<100000x128xf32, #tpu.memory_space<hbm>>
    tpu.enqueue_indirect_dma source(%dma_start3A_287 : memref<100000x128xf32, #tpu.memory_space<hbm>>) target(%arg9 : memref<128x128xf32, #tpu.memory_space<vmem>>) offsets(%dma_start3A_284 : memref<128xi32, #tpu.memory_space<vmem>>) semaphore(%arg23 : memref<!tpu.dma_semaphore, #tpu.memory_space<semaphore_mem>>) {add = true}
    %dma_wait3A_288 = arith.constant 128 : i32
    %dma_wait3A_289 = tpu.memref_slice %arg6[%dma_wait3A_288] : memref<1024xi32, #tpu.memory_space<vmem>> -> memref<128xi32, #tpu.memory_space<vmem>>
    %dma_wait3A_290 = arith.constant 0 : i32
    %dma_wait3A_291 = arith.constant 0 : i32
    %dma_wait3A_292 = tpu.memref_slice %arg2[%dma_wait3A_290, %dma_wait3A_291] : memref<100000x128xf32, #tpu.memory_space<hbm>> -> memref<100000x128xf32, #tpu.memory_space<hbm>>
    tpu.wait_indirect_dma semaphore(%arg25 : memref<!tpu.dma_semaphore, #tpu.memory_space<semaphore_mem>>) src(%dma_wait3A_292 : memref<100000x128xf32, #tpu.memory_space<hbm>>) dst(%arg11 : memref<128x128xf32, #tpu.memory_space<vmem>>)
    %add3A_293 = arith.constant 128 : i32
    %add3A_294 = arith.addi %mul3A_2, %add3A_293 : i32
    %dma_start3A_295 = arith.constant 0 : i32
    %dma_start3A_296 = tpu.memref_slice %arg5[%add3A_294, %dma_start3A_295] : memref<32768x128xf32, #tpu.memory_space<hbm>> -> memref<128x128xf32, #tpu.memory_space<hbm>>
    %dma_start3A_297 = arith.constant 0 : i32
    %dma_start3A_298 = tpu.memref_slice %arg5[%add3A_294, %dma_start3A_297] : memref<32768x128xf32, #tpu.memory_space<hbm>> -> memref<128x128xf32, #tpu.memory_space<hbm>>
    tpu.enqueue_dma source(%arg11 : memref<128x128xf32, #tpu.memory_space<vmem>>) target(%dma_start3A_298 : memref<128x128xf32, #tpu.memory_space<hbm>>) target_semaphore(%arg32 : memref<!tpu.dma_semaphore, #tpu.memory_space<semaphore_mem>>)
    %dma_wait3A_299 = arith.constant 0 : i32
    %dma_wait3A_300 = arith.constant 0 : i32
    %dma_wait3A_301 = tpu.memref_slice %arg10[%dma_wait3A_299, %dma_wait3A_300] : memref<128x128xf32, #tpu.memory_space<vmem>> -> memref<64x128xf32, #tpu.memory_space<vmem>>
    %dma_wait3A_302 = arith.constant 0 : i32
    %dma_wait3A_303 = tpu.memref_slice %arg5[%add3A_250, %dma_wait3A_302] : memref<32768x128xf32, #tpu.memory_space<hbm>> -> memref<64x128xf32, #tpu.memory_space<hbm>>
    %dma_wait3A_304 = arith.constant 0 : i32
    %dma_wait3A_305 = tpu.memref_slice %arg5[%add3A_250, %dma_wait3A_304] : memref<32768x128xf32, #tpu.memory_space<hbm>> -> memref<64x128xf32, #tpu.memory_space<hbm>>
    %dma_wait3A_306 = arith.constant 0 : i32
    %dma_wait3A_307 = arith.constant 0 : i32
    %dma_wait3A_308 = tpu.memref_slice %arg10[%dma_wait3A_306, %dma_wait3A_307] : memref<128x128xf32, #tpu.memory_space<vmem>> -> memref<64x128xf32, #tpu.memory_space<vmem>>
    tpu.wait_dma2 semaphore(%arg31 : memref<!tpu.dma_semaphore, #tpu.memory_space<semaphore_mem>>) src(%dma_wait3A_308 : memref<64x128xf32, #tpu.memory_space<vmem>>) dst(%dma_wait3A_305 : memref<64x128xf32, #tpu.memory_space<hbm>>)
    %dma_start3A_309 = arith.constant 0 : i32
    %dma_start3A_310 = arith.constant 0 : i32
    %dma_start3A_311 = tpu.memref_slice %arg10[%dma_start3A_309, %dma_start3A_310] : memref<128x128xf32, #tpu.memory_space<vmem>> -> memref<64x128xf32, #tpu.memory_space<vmem>>
    %dma_start3A_312 = arith.constant 896 : i32
    %dma_start3A_313 = arith.constant 0 : i32
    %dma_start3A_314 = tpu.memref_slice %arg7[%dma_start3A_312, %dma_start3A_313] : memref<1024x128xf32, #tpu.memory_space<vmem_shared>> -> memref<64x128xf32, #tpu.memory_space<vmem_shared>>
    %dma_start3A_315 = arith.constant 0 : i32
    %dma_start3A_316 = arith.constant 0 : i32
    %dma_start3A_317 = tpu.memref_slice %arg10[%dma_start3A_315, %dma_start3A_316] : memref<128x128xf32, #tpu.memory_space<vmem>> -> memref<64x128xf32, #tpu.memory_space<vmem>>
    %dma_start3A_318 = arith.constant 896 : i32
    %dma_start3A_319 = arith.constant 0 : i32
    %dma_start3A_320 = tpu.memref_slice %arg7[%dma_start3A_318, %dma_start3A_319] : memref<1024x128xf32, #tpu.memory_space<vmem_shared>> -> memref<64x128xf32, #tpu.memory_space<vmem_shared>>
    tpu.enqueue_dma source(%dma_start3A_320 : memref<64x128xf32, #tpu.memory_space<vmem_shared>>) target(%dma_start3A_317 : memref<64x128xf32, #tpu.memory_space<vmem>>) target_semaphore(%arg17 : memref<!tpu.dma_semaphore, #tpu.memory_space<semaphore_mem>>)
    %dma_wait3A_321 = arith.constant 0 : i32
    %dma_wait3A_322 = arith.constant 0 : i32
    %dma_wait3A_323 = tpu.memref_slice %arg10[%dma_wait3A_321, %dma_wait3A_322] : memref<128x128xf32, #tpu.memory_space<vmem>> -> memref<64x128xf32, #tpu.memory_space<vmem>>
    %dma_wait3A_324 = arith.constant 896 : i32
    %dma_wait3A_325 = arith.constant 0 : i32
    %dma_wait3A_326 = tpu.memref_slice %arg7[%dma_wait3A_324, %dma_wait3A_325] : memref<1024x128xf32, #tpu.memory_space<vmem_shared>> -> memref<64x128xf32, #tpu.memory_space<vmem_shared>>
    %dma_wait3A_327 = arith.constant 0 : i32
    %dma_wait3A_328 = arith.constant 0 : i32
    %dma_wait3A_329 = tpu.memref_slice %arg10[%dma_wait3A_327, %dma_wait3A_328] : memref<128x128xf32, #tpu.memory_space<vmem>> -> memref<64x128xf32, #tpu.memory_space<vmem>>
    %dma_wait3A_330 = arith.constant 896 : i32
    %dma_wait3A_331 = arith.constant 0 : i32
    %dma_wait3A_332 = tpu.memref_slice %arg7[%dma_wait3A_330, %dma_wait3A_331] : memref<1024x128xf32, #tpu.memory_space<vmem_shared>> -> memref<64x128xf32, #tpu.memory_space<vmem_shared>>
    tpu.wait_dma2 semaphore(%arg17 : memref<!tpu.dma_semaphore, #tpu.memory_space<semaphore_mem>>) src(%dma_wait3A_332 : memref<64x128xf32, #tpu.memory_space<vmem_shared>>) dst(%dma_wait3A_329 : memref<64x128xf32, #tpu.memory_space<vmem>>)
    %dma_start3A_333 = arith.constant 0 : i32
    %dma_start3A_334 = arith.constant 0 : i32
    %dma_start3A_335 = tpu.memref_slice %arg10[%dma_start3A_333, %dma_start3A_334] : memref<128x128xf32, #tpu.memory_space<vmem>> -> memref<64x128xf32, #tpu.memory_space<vmem>>
    %dma_start3A_336 = arith.constant 896 : i32
    %dma_start3A_337 = tpu.memref_slice %arg6[%dma_start3A_336] : memref<1024xi32, #tpu.memory_space<vmem>> -> memref<64xi32, #tpu.memory_space<vmem>>
    %dma_start3A_338 = arith.constant 0 : i32
    %dma_start3A_339 = arith.constant 0 : i32
    %dma_start3A_340 = tpu.memref_slice %arg2[%dma_start3A_338, %dma_start3A_339] : memref<100000x128xf32, #tpu.memory_space<hbm>> -> memref<100000x128xf32, #tpu.memory_space<hbm>>
    tpu.enqueue_indirect_dma source(%dma_start3A_340 : memref<100000x128xf32, #tpu.memory_space<hbm>>) target(%dma_start3A_335 : memref<64x128xf32, #tpu.memory_space<vmem>>) offsets(%dma_start3A_337 : memref<64xi32, #tpu.memory_space<vmem>>) semaphore(%arg24 : memref<!tpu.dma_semaphore, #tpu.memory_space<semaphore_mem>>) {add = true}
    %dma_wait3A_341 = arith.constant 256 : i32
    %dma_wait3A_342 = tpu.memref_slice %arg6[%dma_wait3A_341] : memref<1024xi32, #tpu.memory_space<vmem>> -> memref<128xi32, #tpu.memory_space<vmem>>
    %dma_wait3A_343 = arith.constant 0 : i32
    %dma_wait3A_344 = arith.constant 0 : i32
    %dma_wait3A_345 = tpu.memref_slice %arg2[%dma_wait3A_343, %dma_wait3A_344] : memref<100000x128xf32, #tpu.memory_space<hbm>> -> memref<100000x128xf32, #tpu.memory_space<hbm>>
    tpu.wait_indirect_dma semaphore(%arg26 : memref<!tpu.dma_semaphore, #tpu.memory_space<semaphore_mem>>) src(%dma_wait3A_345 : memref<100000x128xf32, #tpu.memory_space<hbm>>) dst(%arg12 : memref<128x128xf32, #tpu.memory_space<vmem>>)
    %add3A_346 = arith.constant 256 : i32
    %add3A_347 = arith.addi %mul3A_2, %add3A_346 : i32
    %dma_start3A_348 = arith.constant 0 : i32
    %dma_start3A_349 = tpu.memref_slice %arg5[%add3A_347, %dma_start3A_348] : memref<32768x128xf32, #tpu.memory_space<hbm>> -> memref<128x128xf32, #tpu.memory_space<hbm>>
    %dma_start3A_350 = arith.constant 0 : i32
    %dma_start3A_351 = tpu.memref_slice %arg5[%add3A_347, %dma_start3A_350] : memref<32768x128xf32, #tpu.memory_space<hbm>> -> memref<128x128xf32, #tpu.memory_space<hbm>>
    tpu.enqueue_dma source(%arg12 : memref<128x128xf32, #tpu.memory_space<vmem>>) target(%dma_start3A_351 : memref<128x128xf32, #tpu.memory_space<hbm>>) target_semaphore(%arg33 : memref<!tpu.dma_semaphore, #tpu.memory_space<semaphore_mem>>)
    %dma_wait3A_352 = arith.constant 0 : i32
    %dma_wait3A_353 = tpu.memref_slice %arg5[%add3A_294, %dma_wait3A_352] : memref<32768x128xf32, #tpu.memory_space<hbm>> -> memref<128x128xf32, #tpu.memory_space<hbm>>
    %dma_wait3A_354 = arith.constant 0 : i32
    %dma_wait3A_355 = tpu.memref_slice %arg5[%add3A_294, %dma_wait3A_354] : memref<32768x128xf32, #tpu.memory_space<hbm>> -> memref<128x128xf32, #tpu.memory_space<hbm>>
    tpu.wait_dma2 semaphore(%arg32 : memref<!tpu.dma_semaphore, #tpu.memory_space<semaphore_mem>>) src(%arg11 : memref<128x128xf32, #tpu.memory_space<vmem>>) dst(%dma_wait3A_355 : memref<128x128xf32, #tpu.memory_space<hbm>>)
    %dma_start3A_356 = arith.constant 0 : i32
    %dma_start3A_357 = arith.constant 0 : i32
    %dma_start3A_358 = tpu.memref_slice %arg11[%dma_start3A_356, %dma_start3A_357] : memref<128x128xf32, #tpu.memory_space<vmem>> -> memref<32x128xf32, #tpu.memory_space<vmem>>
    %dma_start3A_359 = arith.constant 960 : i32
    %dma_start3A_360 = arith.constant 0 : i32
    %dma_start3A_361 = tpu.memref_slice %arg7[%dma_start3A_359, %dma_start3A_360] : memref<1024x128xf32, #tpu.memory_space<vmem_shared>> -> memref<32x128xf32, #tpu.memory_space<vmem_shared>>
    %dma_start3A_362 = arith.constant 0 : i32
    %dma_start3A_363 = arith.constant 0 : i32
    %dma_start3A_364 = tpu.memref_slice %arg11[%dma_start3A_362, %dma_start3A_363] : memref<128x128xf32, #tpu.memory_space<vmem>> -> memref<32x128xf32, #tpu.memory_space<vmem>>
    %dma_start3A_365 = arith.constant 960 : i32
    %dma_start3A_366 = arith.constant 0 : i32
    %dma_start3A_367 = tpu.memref_slice %arg7[%dma_start3A_365, %dma_start3A_366] : memref<1024x128xf32, #tpu.memory_space<vmem_shared>> -> memref<32x128xf32, #tpu.memory_space<vmem_shared>>
    tpu.enqueue_dma source(%dma_start3A_367 : memref<32x128xf32, #tpu.memory_space<vmem_shared>>) target(%dma_start3A_364 : memref<32x128xf32, #tpu.memory_space<vmem>>) target_semaphore(%arg18 : memref<!tpu.dma_semaphore, #tpu.memory_space<semaphore_mem>>)
    %dma_wait3A_368 = arith.constant 0 : i32
    %dma_wait3A_369 = arith.constant 0 : i32
    %dma_wait3A_370 = tpu.memref_slice %arg11[%dma_wait3A_368, %dma_wait3A_369] : memref<128x128xf32, #tpu.memory_space<vmem>> -> memref<32x128xf32, #tpu.memory_space<vmem>>
    %dma_wait3A_371 = arith.constant 960 : i32
    %dma_wait3A_372 = arith.constant 0 : i32
    %dma_wait3A_373 = tpu.memref_slice %arg7[%dma_wait3A_371, %dma_wait3A_372] : memref<1024x128xf32, #tpu.memory_space<vmem_shared>> -> memref<32x128xf32, #tpu.memory_space<vmem_shared>>
    %dma_wait3A_374 = arith.constant 0 : i32
    %dma_wait3A_375 = arith.constant 0 : i32
    %dma_wait3A_376 = tpu.memref_slice %arg11[%dma_wait3A_374, %dma_wait3A_375] : memref<128x128xf32, #tpu.memory_space<vmem>> -> memref<32x128xf32, #tpu.memory_space<vmem>>
    %dma_wait3A_377 = arith.constant 960 : i32
    %dma_wait3A_378 = arith.constant 0 : i32
    %dma_wait3A_379 = tpu.memref_slice %arg7[%dma_wait3A_377, %dma_wait3A_378] : memref<1024x128xf32, #tpu.memory_space<vmem_shared>> -> memref<32x128xf32, #tpu.memory_space<vmem_shared>>
    tpu.wait_dma2 semaphore(%arg18 : memref<!tpu.dma_semaphore, #tpu.memory_space<semaphore_mem>>) src(%dma_wait3A_379 : memref<32x128xf32, #tpu.memory_space<vmem_shared>>) dst(%dma_wait3A_376 : memref<32x128xf32, #tpu.memory_space<vmem>>)
    %dma_start3A_380 = arith.constant 0 : i32
    %dma_start3A_381 = arith.constant 0 : i32
    %dma_start3A_382 = tpu.memref_slice %arg11[%dma_start3A_380, %dma_start3A_381] : memref<128x128xf32, #tpu.memory_space<vmem>> -> memref<32x128xf32, #tpu.memory_space<vmem>>
    %dma_start3A_383 = arith.constant 960 : i32
    %dma_start3A_384 = tpu.memref_slice %arg6[%dma_start3A_383] : memref<1024xi32, #tpu.memory_space<vmem>> -> memref<32xi32, #tpu.memory_space<vmem>>
    %dma_start3A_385 = arith.constant 0 : i32
    %dma_start3A_386 = arith.constant 0 : i32
    %dma_start3A_387 = tpu.memref_slice %arg2[%dma_start3A_385, %dma_start3A_386] : memref<100000x128xf32, #tpu.memory_space<hbm>> -> memref<100000x128xf32, #tpu.memory_space<hbm>>
    tpu.enqueue_indirect_dma source(%dma_start3A_387 : memref<100000x128xf32, #tpu.memory_space<hbm>>) target(%dma_start3A_382 : memref<32x128xf32, #tpu.memory_space<vmem>>) offsets(%dma_start3A_384 : memref<32xi32, #tpu.memory_space<vmem>>) semaphore(%arg25 : memref<!tpu.dma_semaphore, #tpu.memory_space<semaphore_mem>>) {add = true}
    %dma_wait3A_388 = arith.constant 384 : i32
    %dma_wait3A_389 = tpu.memref_slice %arg6[%dma_wait3A_388] : memref<1024xi32, #tpu.memory_space<vmem>> -> memref<128xi32, #tpu.memory_space<vmem>>
    %dma_wait3A_390 = arith.constant 0 : i32
    %dma_wait3A_391 = arith.constant 0 : i32
    %dma_wait3A_392 = tpu.memref_slice %arg2[%dma_wait3A_390, %dma_wait3A_391] : memref<100000x128xf32, #tpu.memory_space<hbm>> -> memref<100000x128xf32, #tpu.memory_space<hbm>>
    tpu.wait_indirect_dma semaphore(%arg27 : memref<!tpu.dma_semaphore, #tpu.memory_space<semaphore_mem>>) src(%dma_wait3A_392 : memref<100000x128xf32, #tpu.memory_space<hbm>>) dst(%arg13 : memref<128x128xf32, #tpu.memory_space<vmem>>)
    %add3A_393 = arith.constant 384 : i32
    %add3A_394 = arith.addi %mul3A_2, %add3A_393 : i32
    %dma_start3A_395 = arith.constant 0 : i32
    %dma_start3A_396 = tpu.memref_slice %arg5[%add3A_394, %dma_start3A_395] : memref<32768x128xf32, #tpu.memory_space<hbm>> -> memref<128x128xf32, #tpu.memory_space<hbm>>
    %dma_start3A_397 = arith.constant 0 : i32
    %dma_start3A_398 = tpu.memref_slice %arg5[%add3A_394, %dma_start3A_397] : memref<32768x128xf32, #tpu.memory_space<hbm>> -> memref<128x128xf32, #tpu.memory_space<hbm>>
    tpu.enqueue_dma source(%arg13 : memref<128x128xf32, #tpu.memory_space<vmem>>) target(%dma_start3A_398 : memref<128x128xf32, #tpu.memory_space<hbm>>) target_semaphore(%arg34 : memref<!tpu.dma_semaphore, #tpu.memory_space<semaphore_mem>>)
    %dma_wait3A_399 = arith.constant 0 : i32
    %dma_wait3A_400 = tpu.memref_slice %arg5[%add3A_347, %dma_wait3A_399] : memref<32768x128xf32, #tpu.memory_space<hbm>> -> memref<128x128xf32, #tpu.memory_space<hbm>>
    %dma_wait3A_401 = arith.constant 0 : i32
    %dma_wait3A_402 = tpu.memref_slice %arg5[%add3A_347, %dma_wait3A_401] : memref<32768x128xf32, #tpu.memory_space<hbm>> -> memref<128x128xf32, #tpu.memory_space<hbm>>
    tpu.wait_dma2 semaphore(%arg33 : memref<!tpu.dma_semaphore, #tpu.memory_space<semaphore_mem>>) src(%arg12 : memref<128x128xf32, #tpu.memory_space<vmem>>) dst(%dma_wait3A_402 : memref<128x128xf32, #tpu.memory_space<hbm>>)
    %dma_start3A_403 = arith.constant 0 : i32
    %dma_start3A_404 = arith.constant 0 : i32
    %dma_start3A_405 = tpu.memref_slice %arg12[%dma_start3A_403, %dma_start3A_404] : memref<128x128xf32, #tpu.memory_space<vmem>> -> memref<32x128xf32, #tpu.memory_space<vmem>>
    %dma_start3A_406 = arith.constant 992 : i32
    %dma_start3A_407 = arith.constant 0 : i32
    %dma_start3A_408 = tpu.memref_slice %arg7[%dma_start3A_406, %dma_start3A_407] : memref<1024x128xf32, #tpu.memory_space<vmem_shared>> -> memref<32x128xf32, #tpu.memory_space<vmem_shared>>
    %dma_start3A_409 = arith.constant 0 : i32
    %dma_start3A_410 = arith.constant 0 : i32
    %dma_start3A_411 = tpu.memref_slice %arg12[%dma_start3A_409, %dma_start3A_410] : memref<128x128xf32, #tpu.memory_space<vmem>> -> memref<32x128xf32, #tpu.memory_space<vmem>>
    %dma_start3A_412 = arith.constant 992 : i32
    %dma_start3A_413 = arith.constant 0 : i32
    %dma_start3A_414 = tpu.memref_slice %arg7[%dma_start3A_412, %dma_start3A_413] : memref<1024x128xf32, #tpu.memory_space<vmem_shared>> -> memref<32x128xf32, #tpu.memory_space<vmem_shared>>
    tpu.enqueue_dma source(%dma_start3A_414 : memref<32x128xf32, #tpu.memory_space<vmem_shared>>) target(%dma_start3A_411 : memref<32x128xf32, #tpu.memory_space<vmem>>) target_semaphore(%arg19 : memref<!tpu.dma_semaphore, #tpu.memory_space<semaphore_mem>>)
    %dma_wait3A_415 = arith.constant 0 : i32
    %dma_wait3A_416 = arith.constant 0 : i32
    %dma_wait3A_417 = tpu.memref_slice %arg12[%dma_wait3A_415, %dma_wait3A_416] : memref<128x128xf32, #tpu.memory_space<vmem>> -> memref<32x128xf32, #tpu.memory_space<vmem>>
    %dma_wait3A_418 = arith.constant 992 : i32
    %dma_wait3A_419 = arith.constant 0 : i32
    %dma_wait3A_420 = tpu.memref_slice %arg7[%dma_wait3A_418, %dma_wait3A_419] : memref<1024x128xf32, #tpu.memory_space<vmem_shared>> -> memref<32x128xf32, #tpu.memory_space<vmem_shared>>
    %dma_wait3A_421 = arith.constant 0 : i32
    %dma_wait3A_422 = arith.constant 0 : i32
    %dma_wait3A_423 = tpu.memref_slice %arg12[%dma_wait3A_421, %dma_wait3A_422] : memref<128x128xf32, #tpu.memory_space<vmem>> -> memref<32x128xf32, #tpu.memory_space<vmem>>
    %dma_wait3A_424 = arith.constant 992 : i32
    %dma_wait3A_425 = arith.constant 0 : i32
    %dma_wait3A_426 = tpu.memref_slice %arg7[%dma_wait3A_424, %dma_wait3A_425] : memref<1024x128xf32, #tpu.memory_space<vmem_shared>> -> memref<32x128xf32, #tpu.memory_space<vmem_shared>>
    tpu.wait_dma2 semaphore(%arg19 : memref<!tpu.dma_semaphore, #tpu.memory_space<semaphore_mem>>) src(%dma_wait3A_426 : memref<32x128xf32, #tpu.memory_space<vmem_shared>>) dst(%dma_wait3A_423 : memref<32x128xf32, #tpu.memory_space<vmem>>)
    %dma_start3A_427 = arith.constant 0 : i32
    %dma_start3A_428 = arith.constant 0 : i32
    %dma_start3A_429 = tpu.memref_slice %arg12[%dma_start3A_427, %dma_start3A_428] : memref<128x128xf32, #tpu.memory_space<vmem>> -> memref<32x128xf32, #tpu.memory_space<vmem>>
    %dma_start3A_430 = arith.constant 992 : i32
    %dma_start3A_431 = tpu.memref_slice %arg6[%dma_start3A_430] : memref<1024xi32, #tpu.memory_space<vmem>> -> memref<32xi32, #tpu.memory_space<vmem>>
    %dma_start3A_432 = arith.constant 0 : i32
    %dma_start3A_433 = arith.constant 0 : i32
    %dma_start3A_434 = tpu.memref_slice %arg2[%dma_start3A_432, %dma_start3A_433] : memref<100000x128xf32, #tpu.memory_space<hbm>> -> memref<100000x128xf32, #tpu.memory_space<hbm>>
    tpu.enqueue_indirect_dma source(%dma_start3A_434 : memref<100000x128xf32, #tpu.memory_space<hbm>>) target(%dma_start3A_429 : memref<32x128xf32, #tpu.memory_space<vmem>>) offsets(%dma_start3A_431 : memref<32xi32, #tpu.memory_space<vmem>>) semaphore(%arg26 : memref<!tpu.dma_semaphore, #tpu.memory_space<semaphore_mem>>) {add = true}
    %dma_wait3A_435 = arith.constant 512 : i32
    %dma_wait3A_436 = tpu.memref_slice %arg6[%dma_wait3A_435] : memref<1024xi32, #tpu.memory_space<vmem>> -> memref<128xi32, #tpu.memory_space<vmem>>
    %dma_wait3A_437 = arith.constant 0 : i32
    %dma_wait3A_438 = arith.constant 0 : i32
    %dma_wait3A_439 = tpu.memref_slice %arg2[%dma_wait3A_437, %dma_wait3A_438] : memref<100000x128xf32, #tpu.memory_space<hbm>> -> memref<100000x128xf32, #tpu.memory_space<hbm>>
    tpu.wait_indirect_dma semaphore(%arg28 : memref<!tpu.dma_semaphore, #tpu.memory_space<semaphore_mem>>) src(%dma_wait3A_439 : memref<100000x128xf32, #tpu.memory_space<hbm>>) dst(%arg14 : memref<128x128xf32, #tpu.memory_space<vmem>>)
    %add3A_440 = arith.constant 512 : i32
    %add3A_441 = arith.addi %mul3A_2, %add3A_440 : i32
    %dma_start3A_442 = arith.constant 0 : i32
    %dma_start3A_443 = tpu.memref_slice %arg5[%add3A_441, %dma_start3A_442] : memref<32768x128xf32, #tpu.memory_space<hbm>> -> memref<128x128xf32, #tpu.memory_space<hbm>>
    %dma_start3A_444 = arith.constant 0 : i32
    %dma_start3A_445 = tpu.memref_slice %arg5[%add3A_441, %dma_start3A_444] : memref<32768x128xf32, #tpu.memory_space<hbm>> -> memref<128x128xf32, #tpu.memory_space<hbm>>
    tpu.enqueue_dma source(%arg14 : memref<128x128xf32, #tpu.memory_space<vmem>>) target(%dma_start3A_445 : memref<128x128xf32, #tpu.memory_space<hbm>>) target_semaphore(%arg35 : memref<!tpu.dma_semaphore, #tpu.memory_space<semaphore_mem>>)
    %dma_wait3A_446 = arith.constant 640 : i32
    %dma_wait3A_447 = tpu.memref_slice %arg6[%dma_wait3A_446] : memref<1024xi32, #tpu.memory_space<vmem>> -> memref<128xi32, #tpu.memory_space<vmem>>
    %dma_wait3A_448 = arith.constant 0 : i32
    %dma_wait3A_449 = arith.constant 0 : i32
    %dma_wait3A_450 = tpu.memref_slice %arg2[%dma_wait3A_448, %dma_wait3A_449] : memref<100000x128xf32, #tpu.memory_space<hbm>> -> memref<100000x128xf32, #tpu.memory_space<hbm>>
    tpu.wait_indirect_dma semaphore(%arg22 : memref<!tpu.dma_semaphore, #tpu.memory_space<semaphore_mem>>) src(%dma_wait3A_450 : memref<100000x128xf32, #tpu.memory_space<hbm>>) dst(%arg8 : memref<128x128xf32, #tpu.memory_space<vmem>>)
    %add3A_451 = arith.constant 640 : i32
    %add3A_452 = arith.addi %mul3A_2, %add3A_451 : i32
    %dma_start3A_453 = arith.constant 0 : i32
    %dma_start3A_454 = tpu.memref_slice %arg5[%add3A_452, %dma_start3A_453] : memref<32768x128xf32, #tpu.memory_space<hbm>> -> memref<128x128xf32, #tpu.memory_space<hbm>>
    %dma_start3A_455 = arith.constant 0 : i32
    %dma_start3A_456 = tpu.memref_slice %arg5[%add3A_452, %dma_start3A_455] : memref<32768x128xf32, #tpu.memory_space<hbm>> -> memref<128x128xf32, #tpu.memory_space<hbm>>
    tpu.enqueue_dma source(%arg8 : memref<128x128xf32, #tpu.memory_space<vmem>>) target(%dma_start3A_456 : memref<128x128xf32, #tpu.memory_space<hbm>>) target_semaphore(%arg29 : memref<!tpu.dma_semaphore, #tpu.memory_space<semaphore_mem>>)
    %dma_wait3A_457 = arith.constant 768 : i32
    %dma_wait3A_458 = tpu.memref_slice %arg6[%dma_wait3A_457] : memref<1024xi32, #tpu.memory_space<vmem>> -> memref<128xi32, #tpu.memory_space<vmem>>
    %dma_wait3A_459 = arith.constant 0 : i32
    %dma_wait3A_460 = arith.constant 0 : i32
    %dma_wait3A_461 = tpu.memref_slice %arg2[%dma_wait3A_459, %dma_wait3A_460] : memref<100000x128xf32, #tpu.memory_space<hbm>> -> memref<100000x128xf32, #tpu.memory_space<hbm>>
    tpu.wait_indirect_dma semaphore(%arg23 : memref<!tpu.dma_semaphore, #tpu.memory_space<semaphore_mem>>) src(%dma_wait3A_461 : memref<100000x128xf32, #tpu.memory_space<hbm>>) dst(%arg9 : memref<128x128xf32, #tpu.memory_space<vmem>>)
    %add3A_462 = arith.constant 768 : i32
    %add3A_463 = arith.addi %mul3A_2, %add3A_462 : i32
    %dma_start3A_464 = arith.constant 0 : i32
    %dma_start3A_465 = tpu.memref_slice %arg5[%add3A_463, %dma_start3A_464] : memref<32768x128xf32, #tpu.memory_space<hbm>> -> memref<128x128xf32, #tpu.memory_space<hbm>>
    %dma_start3A_466 = arith.constant 0 : i32
    %dma_start3A_467 = tpu.memref_slice %arg5[%add3A_463, %dma_start3A_466] : memref<32768x128xf32, #tpu.memory_space<hbm>> -> memref<128x128xf32, #tpu.memory_space<hbm>>
    tpu.enqueue_dma source(%arg9 : memref<128x128xf32, #tpu.memory_space<vmem>>) target(%dma_start3A_467 : memref<128x128xf32, #tpu.memory_space<hbm>>) target_semaphore(%arg30 : memref<!tpu.dma_semaphore, #tpu.memory_space<semaphore_mem>>)
    %dma_wait3A_468 = arith.constant 0 : i32
    %dma_wait3A_469 = arith.constant 0 : i32
    %dma_wait3A_470 = tpu.memref_slice %arg10[%dma_wait3A_468, %dma_wait3A_469] : memref<128x128xf32, #tpu.memory_space<vmem>> -> memref<64x128xf32, #tpu.memory_space<vmem>>
    %dma_wait3A_471 = arith.constant 896 : i32
    %dma_wait3A_472 = tpu.memref_slice %arg6[%dma_wait3A_471] : memref<1024xi32, #tpu.memory_space<vmem>> -> memref<64xi32, #tpu.memory_space<vmem>>
    %dma_wait3A_473 = arith.constant 0 : i32
    %dma_wait3A_474 = arith.constant 0 : i32
    %dma_wait3A_475 = tpu.memref_slice %arg2[%dma_wait3A_473, %dma_wait3A_474] : memref<100000x128xf32, #tpu.memory_space<hbm>> -> memref<100000x128xf32, #tpu.memory_space<hbm>>
    tpu.wait_indirect_dma semaphore(%arg24 : memref<!tpu.dma_semaphore, #tpu.memory_space<semaphore_mem>>) src(%dma_wait3A_475 : memref<100000x128xf32, #tpu.memory_space<hbm>>) dst(%dma_wait3A_470 : memref<64x128xf32, #tpu.memory_space<vmem>>)
    %add3A_476 = arith.constant 896 : i32
    %add3A_477 = arith.addi %mul3A_2, %add3A_476 : i32
    %dma_start3A_478 = arith.constant 0 : i32
    %dma_start3A_479 = arith.constant 0 : i32
    %dma_start3A_480 = tpu.memref_slice %arg10[%dma_start3A_478, %dma_start3A_479] : memref<128x128xf32, #tpu.memory_space<vmem>> -> memref<64x128xf32, #tpu.memory_space<vmem>>
    %dma_start3A_481 = arith.constant 0 : i32
    %dma_start3A_482 = tpu.memref_slice %arg5[%add3A_477, %dma_start3A_481] : memref<32768x128xf32, #tpu.memory_space<hbm>> -> memref<64x128xf32, #tpu.memory_space<hbm>>
    %dma_start3A_483 = arith.constant 0 : i32
    %dma_start3A_484 = tpu.memref_slice %arg5[%add3A_477, %dma_start3A_483] : memref<32768x128xf32, #tpu.memory_space<hbm>> -> memref<64x128xf32, #tpu.memory_space<hbm>>
    %dma_start3A_485 = arith.constant 0 : i32
    %dma_start3A_486 = arith.constant 0 : i32
    %dma_start3A_487 = tpu.memref_slice %arg10[%dma_start3A_485, %dma_start3A_486] : memref<128x128xf32, #tpu.memory_space<vmem>> -> memref<64x128xf32, #tpu.memory_space<vmem>>
    tpu.enqueue_dma source(%dma_start3A_487 : memref<64x128xf32, #tpu.memory_space<vmem>>) target(%dma_start3A_484 : memref<64x128xf32, #tpu.memory_space<hbm>>) target_semaphore(%arg31 : memref<!tpu.dma_semaphore, #tpu.memory_space<semaphore_mem>>)
    %dma_wait3A_488 = arith.constant 0 : i32
    %dma_wait3A_489 = arith.constant 0 : i32
    %dma_wait3A_490 = tpu.memref_slice %arg11[%dma_wait3A_488, %dma_wait3A_489] : memref<128x128xf32, #tpu.memory_space<vmem>> -> memref<32x128xf32, #tpu.memory_space<vmem>>
    %dma_wait3A_491 = arith.constant 960 : i32
    %dma_wait3A_492 = tpu.memref_slice %arg6[%dma_wait3A_491] : memref<1024xi32, #tpu.memory_space<vmem>> -> memref<32xi32, #tpu.memory_space<vmem>>
    %dma_wait3A_493 = arith.constant 0 : i32
    %dma_wait3A_494 = arith.constant 0 : i32
    %dma_wait3A_495 = tpu.memref_slice %arg2[%dma_wait3A_493, %dma_wait3A_494] : memref<100000x128xf32, #tpu.memory_space<hbm>> -> memref<100000x128xf32, #tpu.memory_space<hbm>>
    tpu.wait_indirect_dma semaphore(%arg25 : memref<!tpu.dma_semaphore, #tpu.memory_space<semaphore_mem>>) src(%dma_wait3A_495 : memref<100000x128xf32, #tpu.memory_space<hbm>>) dst(%dma_wait3A_490 : memref<32x128xf32, #tpu.memory_space<vmem>>)
    %add3A_496 = arith.constant 960 : i32
    %add3A_497 = arith.addi %mul3A_2, %add3A_496 : i32
    %dma_start3A_498 = arith.constant 0 : i32
    %dma_start3A_499 = arith.constant 0 : i32
    %dma_start3A_500 = tpu.memref_slice %arg11[%dma_start3A_498, %dma_start3A_499] : memref<128x128xf32, #tpu.memory_space<vmem>> -> memref<32x128xf32, #tpu.memory_space<vmem>>
    %dma_start3A_501 = arith.constant 0 : i32
    %dma_start3A_502 = tpu.memref_slice %arg5[%add3A_497, %dma_start3A_501] : memref<32768x128xf32, #tpu.memory_space<hbm>> -> memref<32x128xf32, #tpu.memory_space<hbm>>
    %dma_start3A_503 = arith.constant 0 : i32
    %dma_start3A_504 = tpu.memref_slice %arg5[%add3A_497, %dma_start3A_503] : memref<32768x128xf32, #tpu.memory_space<hbm>> -> memref<32x128xf32, #tpu.memory_space<hbm>>
    %dma_start3A_505 = arith.constant 0 : i32
    %dma_start3A_506 = arith.constant 0 : i32
    %dma_start3A_507 = tpu.memref_slice %arg11[%dma_start3A_505, %dma_start3A_506] : memref<128x128xf32, #tpu.memory_space<vmem>> -> memref<32x128xf32, #tpu.memory_space<vmem>>
    tpu.enqueue_dma source(%dma_start3A_507 : memref<32x128xf32, #tpu.memory_space<vmem>>) target(%dma_start3A_504 : memref<32x128xf32, #tpu.memory_space<hbm>>) target_semaphore(%arg32 : memref<!tpu.dma_semaphore, #tpu.memory_space<semaphore_mem>>)
    %dma_wait3A_508 = arith.constant 0 : i32
    %dma_wait3A_509 = arith.constant 0 : i32
    %dma_wait3A_510 = tpu.memref_slice %arg12[%dma_wait3A_508, %dma_wait3A_509] : memref<128x128xf32, #tpu.memory_space<vmem>> -> memref<32x128xf32, #tpu.memory_space<vmem>>
    %dma_wait3A_511 = arith.constant 992 : i32
    %dma_wait3A_512 = tpu.memref_slice %arg6[%dma_wait3A_511] : memref<1024xi32, #tpu.memory_space<vmem>> -> memref<32xi32, #tpu.memory_space<vmem>>
    %dma_wait3A_513 = arith.constant 0 : i32
    %dma_wait3A_514 = arith.constant 0 : i32
    %dma_wait3A_515 = tpu.memref_slice %arg2[%dma_wait3A_513, %dma_wait3A_514] : memref<100000x128xf32, #tpu.memory_space<hbm>> -> memref<100000x128xf32, #tpu.memory_space<hbm>>
    tpu.wait_indirect_dma semaphore(%arg26 : memref<!tpu.dma_semaphore, #tpu.memory_space<semaphore_mem>>) src(%dma_wait3A_515 : memref<100000x128xf32, #tpu.memory_space<hbm>>) dst(%dma_wait3A_510 : memref<32x128xf32, #tpu.memory_space<vmem>>)
    %add3A_516 = arith.constant 992 : i32
    %add3A_517 = arith.addi %mul3A_2, %add3A_516 : i32
    %dma_start3A_518 = arith.constant 0 : i32
    %dma_start3A_519 = arith.constant 0 : i32
    %dma_start3A_520 = tpu.memref_slice %arg12[%dma_start3A_518, %dma_start3A_519] : memref<128x128xf32, #tpu.memory_space<vmem>> -> memref<32x128xf32, #tpu.memory_space<vmem>>
    %dma_start3A_521 = arith.constant 0 : i32
    %dma_start3A_522 = tpu.memref_slice %arg5[%add3A_517, %dma_start3A_521] : memref<32768x128xf32, #tpu.memory_space<hbm>> -> memref<32x128xf32, #tpu.memory_space<hbm>>
    %dma_start3A_523 = arith.constant 0 : i32
    %dma_start3A_524 = tpu.memref_slice %arg5[%add3A_517, %dma_start3A_523] : memref<32768x128xf32, #tpu.memory_space<hbm>> -> memref<32x128xf32, #tpu.memory_space<hbm>>
    %dma_start3A_525 = arith.constant 0 : i32
    %dma_start3A_526 = arith.constant 0 : i32
    %dma_start3A_527 = tpu.memref_slice %arg12[%dma_start3A_525, %dma_start3A_526] : memref<128x128xf32, #tpu.memory_space<vmem>> -> memref<32x128xf32, #tpu.memory_space<vmem>>
    tpu.enqueue_dma source(%dma_start3A_527 : memref<32x128xf32, #tpu.memory_space<vmem>>) target(%dma_start3A_524 : memref<32x128xf32, #tpu.memory_space<hbm>>) target_semaphore(%arg33 : memref<!tpu.dma_semaphore, #tpu.memory_space<semaphore_mem>>)
    %dma_wait3A_528 = arith.constant 0 : i32
    %dma_wait3A_529 = tpu.memref_slice %arg5[%add3A_394, %dma_wait3A_528] : memref<32768x128xf32, #tpu.memory_space<hbm>> -> memref<128x128xf32, #tpu.memory_space<hbm>>
    %dma_wait3A_530 = arith.constant 0 : i32
    %dma_wait3A_531 = tpu.memref_slice %arg5[%add3A_394, %dma_wait3A_530] : memref<32768x128xf32, #tpu.memory_space<hbm>> -> memref<128x128xf32, #tpu.memory_space<hbm>>
    tpu.wait_dma2 semaphore(%arg34 : memref<!tpu.dma_semaphore, #tpu.memory_space<semaphore_mem>>) src(%arg13 : memref<128x128xf32, #tpu.memory_space<vmem>>) dst(%dma_wait3A_531 : memref<128x128xf32, #tpu.memory_space<hbm>>)
    %dma_wait3A_532 = arith.constant 0 : i32
    %dma_wait3A_533 = tpu.memref_slice %arg5[%add3A_441, %dma_wait3A_532] : memref<32768x128xf32, #tpu.memory_space<hbm>> -> memref<128x128xf32, #tpu.memory_space<hbm>>
    %dma_wait3A_534 = arith.constant 0 : i32
    %dma_wait3A_535 = tpu.memref_slice %arg5[%add3A_441, %dma_wait3A_534] : memref<32768x128xf32, #tpu.memory_space<hbm>> -> memref<128x128xf32, #tpu.memory_space<hbm>>
    tpu.wait_dma2 semaphore(%arg35 : memref<!tpu.dma_semaphore, #tpu.memory_space<semaphore_mem>>) src(%arg14 : memref<128x128xf32, #tpu.memory_space<vmem>>) dst(%dma_wait3A_535 : memref<128x128xf32, #tpu.memory_space<hbm>>)
    %dma_wait3A_536 = arith.constant 0 : i32
    %dma_wait3A_537 = tpu.memref_slice %arg5[%add3A_452, %dma_wait3A_536] : memref<32768x128xf32, #tpu.memory_space<hbm>> -> memref<128x128xf32, #tpu.memory_space<hbm>>
    %dma_wait3A_538 = arith.constant 0 : i32
    %dma_wait3A_539 = tpu.memref_slice %arg5[%add3A_452, %dma_wait3A_538] : memref<32768x128xf32, #tpu.memory_space<hbm>> -> memref<128x128xf32, #tpu.memory_space<hbm>>
    tpu.wait_dma2 semaphore(%arg29 : memref<!tpu.dma_semaphore, #tpu.memory_space<semaphore_mem>>) src(%arg8 : memref<128x128xf32, #tpu.memory_space<vmem>>) dst(%dma_wait3A_539 : memref<128x128xf32, #tpu.memory_space<hbm>>)
    %dma_wait3A_540 = arith.constant 0 : i32
    %dma_wait3A_541 = tpu.memref_slice %arg5[%add3A_463, %dma_wait3A_540] : memref<32768x128xf32, #tpu.memory_space<hbm>> -> memref<128x128xf32, #tpu.memory_space<hbm>>
    %dma_wait3A_542 = arith.constant 0 : i32
    %dma_wait3A_543 = tpu.memref_slice %arg5[%add3A_463, %dma_wait3A_542] : memref<32768x128xf32, #tpu.memory_space<hbm>> -> memref<128x128xf32, #tpu.memory_space<hbm>>
    tpu.wait_dma2 semaphore(%arg30 : memref<!tpu.dma_semaphore, #tpu.memory_space<semaphore_mem>>) src(%arg9 : memref<128x128xf32, #tpu.memory_space<vmem>>) dst(%dma_wait3A_543 : memref<128x128xf32, #tpu.memory_space<hbm>>)
    %dma_wait3A_544 = arith.constant 0 : i32
    %dma_wait3A_545 = arith.constant 0 : i32
    %dma_wait3A_546 = tpu.memref_slice %arg10[%dma_wait3A_544, %dma_wait3A_545] : memref<128x128xf32, #tpu.memory_space<vmem>> -> memref<64x128xf32, #tpu.memory_space<vmem>>
    %dma_wait3A_547 = arith.constant 0 : i32
    %dma_wait3A_548 = tpu.memref_slice %arg5[%add3A_477, %dma_wait3A_547] : memref<32768x128xf32, #tpu.memory_space<hbm>> -> memref<64x128xf32, #tpu.memory_space<hbm>>
    %dma_wait3A_549 = arith.constant 0 : i32
    %dma_wait3A_550 = tpu.memref_slice %arg5[%add3A_477, %dma_wait3A_549] : memref<32768x128xf32, #tpu.memory_space<hbm>> -> memref<64x128xf32, #tpu.memory_space<hbm>>
    %dma_wait3A_551 = arith.constant 0 : i32
    %dma_wait3A_552 = arith.constant 0 : i32
    %dma_wait3A_553 = tpu.memref_slice %arg10[%dma_wait3A_551, %dma_wait3A_552] : memref<128x128xf32, #tpu.memory_space<vmem>> -> memref<64x128xf32, #tpu.memory_space<vmem>>
    tpu.wait_dma2 semaphore(%arg31 : memref<!tpu.dma_semaphore, #tpu.memory_space<semaphore_mem>>) src(%dma_wait3A_553 : memref<64x128xf32, #tpu.memory_space<vmem>>) dst(%dma_wait3A_550 : memref<64x128xf32, #tpu.memory_space<hbm>>)
    %dma_wait3A_554 = arith.constant 0 : i32
    %dma_wait3A_555 = arith.constant 0 : i32
    %dma_wait3A_556 = tpu.memref_slice %arg11[%dma_wait3A_554, %dma_wait3A_555] : memref<128x128xf32, #tpu.memory_space<vmem>> -> memref<32x128xf32, #tpu.memory_space<vmem>>
    %dma_wait3A_557 = arith.constant 0 : i32
    %dma_wait3A_558 = tpu.memref_slice %arg5[%add3A_497, %dma_wait3A_557] : memref<32768x128xf32, #tpu.memory_space<hbm>> -> memref<32x128xf32, #tpu.memory_space<hbm>>
    %dma_wait3A_559 = arith.constant 0 : i32
    %dma_wait3A_560 = tpu.memref_slice %arg5[%add3A_497, %dma_wait3A_559] : memref<32768x128xf32, #tpu.memory_space<hbm>> -> memref<32x128xf32, #tpu.memory_space<hbm>>
    %dma_wait3A_561 = arith.constant 0 : i32
    %dma_wait3A_562 = arith.constant 0 : i32
    %dma_wait3A_563 = tpu.memref_slice %arg11[%dma_wait3A_561, %dma_wait3A_562] : memref<128x128xf32, #tpu.memory_space<vmem>> -> memref<32x128xf32, #tpu.memory_space<vmem>>
    tpu.wait_dma2 semaphore(%arg32 : memref<!tpu.dma_semaphore, #tpu.memory_space<semaphore_mem>>) src(%dma_wait3A_563 : memref<32x128xf32, #tpu.memory_space<vmem>>) dst(%dma_wait3A_560 : memref<32x128xf32, #tpu.memory_space<hbm>>)
    %dma_wait3A_564 = arith.constant 0 : i32
    %dma_wait3A_565 = arith.constant 0 : i32
    %dma_wait3A_566 = tpu.memref_slice %arg12[%dma_wait3A_564, %dma_wait3A_565] : memref<128x128xf32, #tpu.memory_space<vmem>> -> memref<32x128xf32, #tpu.memory_space<vmem>>
    %dma_wait3A_567 = arith.constant 0 : i32
    %dma_wait3A_568 = tpu.memref_slice %arg5[%add3A_517, %dma_wait3A_567] : memref<32768x128xf32, #tpu.memory_space<hbm>> -> memref<32x128xf32, #tpu.memory_space<hbm>>
    %dma_wait3A_569 = arith.constant 0 : i32
    %dma_wait3A_570 = tpu.memref_slice %arg5[%add3A_517, %dma_wait3A_569] : memref<32768x128xf32, #tpu.memory_space<hbm>> -> memref<32x128xf32, #tpu.memory_space<hbm>>
    %dma_wait3A_571 = arith.constant 0 : i32
    %dma_wait3A_572 = arith.constant 0 : i32
    %dma_wait3A_573 = tpu.memref_slice %arg12[%dma_wait3A_571, %dma_wait3A_572] : memref<128x128xf32, #tpu.memory_space<vmem>> -> memref<32x128xf32, #tpu.memory_space<vmem>>
    tpu.wait_dma2 semaphore(%arg33 : memref<!tpu.dma_semaphore, #tpu.memory_space<semaphore_mem>>) src(%dma_wait3A_573 : memref<32x128xf32, #tpu.memory_space<vmem>>) dst(%dma_wait3A_570 : memref<32x128xf32, #tpu.memory_space<hbm>>)
    return
  }
}

</mosaic_0001>

<sc_bundles>
// kernel: kernel.3.cloned.1.call-start
scs
__scs_entry_jumppad:
0x0: {  	(pc) =	sbr.rel $0x88, $3  }
0x1: {  	(tag) =	ssettag $0x0;
	lr =	simm.s32 $0x1  }
0x2: {  	[smem:$0x3F9E] =	sst lr;
	_ =	strace $0xD0000000  }
0x3: {  	_ = 	snop  }
0x4: {  	_ = 	snop  }
0x5: {  	_ = 	snop  }
0x6: {  	_ = 	snop  }
0x7: {  	_ = 	snop  }
__scs_overlays_trampoline_lowered:
0x8: {  	[smem:$0x3FAD] =	sst s0  }
0x9: {  	[smem:$0x3FAE] =	sst s1  }
0xa: {  	[smem:$0x3FAF] =	sst s2  }
0xb: {  	[smem:$0x3FB0] =	sst s3  }
0xc: {  	[smem:$0x3FB1] =	sst s4  }
0xd: {  	[smem:$0x3FB2] =	sst s5  }
0xe: {  	[smem:$0x3FB3] =	sst s6  }
0xf: {  	[smem:$0x3FB4] =	sst s7  }
0x10: {  	[smem:$0x3FB5] =	sst s8  }
0x11: {  	[smem:$0x3FB6] =	sst s9;
	s0 =	simm.s32 @!p0 $0x0  }
0x12: {  	s1 =	sld [smem:$0x3F9C];
	s0 =	simm.s32 @p0 $0x1  }
0x13: {  	[smem:$0x3FB7] =	sst s0;
	s0 =	simm.s32 @!p1 $0x0  }
0x14: {  	s2 =	sld [smem:$0x3F9B];
	s0 =	simm.s32 @p1 $0x1  }
0x15: {  	[smem:$0x3FB8] =	sst s0;
	s0 =	simm.s32 @!p2 $0x0  }
0x16: {  	s3 =	sld [smem:$0x3FDB];
	s0 =	simm.s32 @p2 $0x1  }
0x17: {  	s4 =	simm.s32 $0x1BF5;
	[smem:$0x3FBA] =	sst s0  }
0x18: {  	s0 =	sld [smem:$0x3F9D];
	_ =	swait.ge [sflag:s4], $0x0  }
0x19: {  	s7 =	sld [smem:$0x3F9E]  }
0x1a: {  	s8 =	sadd.s32 $0xFFFFE003, lr  }
0x1b: {  	s9 =	sadd.s32 $0xFFFFFEF7, lr;
	s5 =	simm.s32 $0xFFFFFFFF;
	p2 =	slt.u32 s8, $0xFFFFF086  }
0x1c: {  	p1 =	slt.u32 s9, $0xF7A;
	s5 =	simm.s32 @!p2 $0x0  }
0x1d: {  	s5 =	simm.s32 @p1 $0x1;
	p0 =	seq.s32 s7, s2  }
0x1e: {  	s7 =	smul.u32 @!p0 $0xF7A, s2;
	p2 =	seq.s32 @!p0 s5, $0x0  }
0x1f: {  	s9 =	smul.u32 $0xF7A, s1;
	s8 =	simm.s32 @!p0 $0x1BF5;
	p2 =	por !p2, p0  }
0x20: {  	[sflag:s8] =	ssyncset.s32 @!p0 $0xFFFFF086;
	s6 =	sadd.s32 @!p0 s3, s7;
	s7 =	simm.s32 @!p0 $0x108  }
0x21: {  	s3 =	sadd.s32 s3, s9;
	s6 =	sadd.s32 @!p0 $0x88, s6;
	s7 =	simm.s32 @p2 $0x1082  }
0x22: {  	[simem:s7], [sflag:s8] =	dma.local @!p0 [hbm:s6], $0xF7A  }
0x23: {  	s9 =	sor.u32 $0xD0000000, s2;
	s6 =	simm.s32 $0x108;
	_ =	swait.ge @!p0 [sflag:s8], $0x0  }
0x24: {  	s3 =	sadd.s32 $0x88, s3;
	s6 =	simm.s32 @!p1 $0x1082;
	[sflag:s4] =	ssyncset.s32 $0xFFFFF086  }
0x25: {  	[simem:s6], [sflag:s4] =	dma.local [hbm:s3], $0xF7A  }
0x26: {  	[smem:$0x3F9E] =	sst s1;
	(tag) =	ssettag s2;
	_ =	strace s9  }
0x27: {  	s1 =	sld [smem:$0x3FAE]  }
0x28: {  	s2 =	sld [smem:$0x3FAF]  }
0x29: {  	s4 =	sld [smem:$0x3FB1]  }
0x2a: {  	p0 =	seq.s32 s5, $0x0;
	s5 =	sld [smem:$0x3FB2]  }
0x2b: {  	s6 =	sld [smem:$0x3FB3]  }
0x2c: {  	s7 =	sld [smem:$0x3FB4]  }
0x2d: {  	s3 =	simm.s32 $0x108;
	s8 =	sld [smem:$0x3FB5]  }
0x2e: {  	s3 =	simm.s32 @!p0 $0x1082;
	s9 =	sld [smem:$0x3FB6]  }
0x2f: {  	lr =	sadd.s32 s0, s3;
	s0 =	sld [smem:$0x3FAD]  }
0x30: {  	s3 =	sld [smem:$0x3FB0]  }
0x31: {  	[smem:$0x3FB9] =	sst s10  }
0x32: {  	s10 =	sld [smem:$0x3FB7];
	_ =	sdelay $0x3  }
0x33: {  	p0 =	seq.s32 s10, $0x1;
	s10 =	sld [smem:$0x3FB9];
	_ =	sdelay $0x3  }
0x34: {  	[smem:$0x3FB9] =	sst s10  }
0x35: {  	s10 =	sld [smem:$0x3FB8];
	_ =	sdelay $0x3  }
0x36: {  	p1 =	seq.s32 s10, $0x1;
	s10 =	sld [smem:$0x3FB9];
	_ =	sdelay $0x3  }
0x37: {  	[smem:$0x3FB9] =	sst s10  }
0x38: {  	s10 =	sld [smem:$0x3FBA]  }
0x39: {  	_ = 	snop;
	(pc) =	sbr.ind lr, $3  }
0x3a: {  	_ = 	snop  }
0x3b: {  	_ = 	snop  }
0x3c: {  	p2 =	seq.s32 s10, $0x1;
	s10 =	sld [smem:$0x3FB9]  }
0x3d: {  	_ =	shalt  }
0x3e: {  	_ =	shalt  }
0x3f: {  	_ =	shalt  }
0x40: {  	_ =	shalt  }
0x41: {  	_ =	shalt  }
0x42: {  	_ =	shalt  }
0x43: {  	_ =	shalt  }
0x44: {  	_ =	shalt  }
0x45: {  	_ =	shalt  }
0x46: {  	_ =	shalt  }
0x47: {  	_ =	shalt  }
0x48: {  	_ =	shalt  }
0x49: {  	_ =	shalt  }
0x4a: {  	_ =	shalt  }
0x4b: {  	_ =	shalt  }
0x4c: {  	_ =	shalt  }
0x4d: {  	_ =	shalt  }
0x4e: {  	_ =	shalt  }
0x4f: {  	_ =	shalt  }
0x50: {  	_ =	shalt  }
0x51: {  	_ =	shalt  }
0x52: {  	_ =	shalt  }
0x53: {  	_ =	shalt  }
0x54: {  	_ =	shalt  }
0x55: {  	_ =	shalt  }
0x56: {  	_ =	shalt  }
0x57: {  	_ =	shalt  }
0x58: {  	_ =	shalt  }
0x59: {  	_ =	shalt  }
0x5a: {  	_ =	shalt  }
0x5b: {  	_ =	shalt  }
0x5c: {  	_ =	shalt  }
0x5d: {  	_ =	shalt  }
0x5e: {  	_ =	shalt  }
0x5f: {  	_ =	shalt  }
0x60: {  	_ =	shalt  }
0x61: {  	_ =	shalt  }
0x62: {  	_ =	shalt  }
0x63: {  	_ =	shalt  }
0x64: {  	_ =	shalt  }
0x65: {  	_ =	shalt  }
0x66: {  	_ =	shalt  }
0x67: {  	_ =	shalt  }
0x68: {  	_ =	shalt  }
0x69: {  	_ =	shalt  }
0x6a: {  	_ =	shalt  }
0x6b: {  	_ =	shalt  }
0x6c: {  	_ =	shalt  }
0x6d: {  	_ =	shalt  }
0x6e: {  	_ =	shalt  }
0x6f: {  	_ =	shalt  }
0x70: {  	_ =	shalt  }
0x71: {  	_ =	shalt  }
0x72: {  	_ =	shalt  }
0x73: {  	_ =	shalt  }
0x74: {  	_ =	shalt  }
0x75: {  	_ =	shalt  }
0x76: {  	_ =	shalt  }
0x77: {  	_ =	shalt  }
0x78: {  	_ =	shalt  }
0x79: {  	_ =	shalt  }
0x7a: {  	_ =	shalt  }
0x7b: {  	_ =	shalt  }
0x7c: {  	_ =	shalt  }
0x7d: {  	_ =	shalt  }
0x7e: {  	_ =	shalt  }
0x7f: {  	_ =	shalt  }
0x80: {  	_ =	shalt  }
0x81: {  	_ =	shalt  }
0x82: {  	_ =	shalt  }
0x83: {  	_ =	shalt  }
0x84: {  	_ =	shalt  }
0x85: {  	_ =	shalt  }
0x86: {  	_ =	shalt  }
0x87: {  	_ =	shalt  }
.Lfunc_end0:
.L_simem_size_0:
called_computation_lowered:
.L_overlay_start_0:
0x88: {  	s2 =	sld [smem:$0x3FD9]  }
0x89: {  	s3 =	sld [smem:$0x3FFE];
	_ =	sdelay $0x1  }
0x8a: {  	s1 =	srdreg.scid  }
0x8b: {  	s0 =	sand.u32 $0x1, s1  }
0x8c: {  	s17 =	sshll.u32 s0, $0xA;
	s2 =	sadd.s32 s3, s2  }
0x8d: {  	s2 =	sadd.s32 s2, s17  }
0x8e: {  	[smem:$0x3FC5] =	sst s2  }
0x8f: {  	_ = 	snop  }
0x90: {  	s2 =	sld [smem:$0x3FC8]  }
0x91: {  	s18 =	sld [smem:$0x3FC7]  }
0x92: {  	s4 =	sld [smem:$0x3FD0];
	(tm) =	ssettm $0x1  }
0x93: {  	s5 =	sld [smem:$0x3FFB];
	_ =	sdelay $0x3  }
0x94: {  	_ =	strace s5  }
0x95: {  	s5 =	sld [smem:$0x3FFC];
	_ =	sdelay $0x3  }
0x96: {  	_ =	strace s5  }
0x97: {  	s5 =	sld [smem:$0x3FFD];
	_ =	sdelay $0x3  }
0x98: {  	_ =	strace s5  }
0x99: {  	_ =	strace $0x8FFFFFFF  }
0x9a: {  	s19 =	sld [smem:$0x3FDB];
	_ =	sdelay $0x1  }
0x9b: {  	s6 =	simm.s32 $_scs_section_size  }
0x9c: {  	s7 =	simm.s32 $_size__tile_overlayer_lowered;
	s8 =	simm.s32 $_tile_overlayer_lowered  }
0x9d: {  	s22 =	simm.s32 $0x1BFF;
	s21 =	sshll.u32 s8, $0x1;
	s5 =	sadd.s32 s6, s19  }
0x9e: {  	s9 =	simm.s32 $0x0;
	s20 =	sshll.u32 s7, $0x1;
	s7 =	sadd.s32 s21, s5  }
0x9f: {  	[timem:s9], [sflag:s22] =	dma.local [hbm:s7], s20  }
0xa0: {  	_ =	swait.ge [sflag:s22], s20  }
0xa1: {  	s6 =	ssub.s32 $0x0, s20;
	[sflag:s22] =	ssyncset.done $0x0  }
0xa2: {  	[sflag:s22] =	ssyncadd.s32 s6;
	_ =	sdelay $0x1  }
0xa3: {  	s23 =	simm.s32 $0x1B8B  }
0xa4: {  	_ =	swait.ge [sflag:s23], $0x1  }
0xa5: {  	[sflag:s23] =	ssyncset.done $0x0  }
0xa6: {  	s25 =	simm.s32 $0x1B8E;
	s24 =	sld [smem:$0x3FFE];
	[sflag:s23] =	ssyncadd.s32 $0xFFFFFFFF  }
0xa7: {  	s26 =	simm.s32 $execute0_lowered;
	[smem:$0x3FD2] =	sst s25  }
0xa8: {  	s7 =	sshll.u32 s26, $0x1;
	_ =	strace $0x80000046;
	[dreg:$0x1] =	wrdreg $0xFFFFFFFF  }
0xa9: {  	s28 =	simm.s32 $_size_execute0_lowered;
	s5 =	sadd.s32 s5, s7;
	[dreg:$0x0] =	wrdreg $0x0  }
0xaa: {  	s7 =	sshll.u32 s28, $0x1;
	[dreg:$0x2] =	wrdreg s5  }
0xab: {  	[dreg:$0x3] =	wrdreg s7  }
0xac: {  	[dreg:$0x4] =	wrdreg $0xC0  }
0xad: {  	_ =	task [dreg:s9], $0x5FFFF  }
0xae: {  	[dreg:$0x1] =	wrdreg $0xFFFFFFFF  }
0xaf: {  	[dreg:$0x0] =	wrdreg $0x60  }
0xb0: {  	[dreg:$0x2] =	wrdreg s2  }
0xb1: {  	[dreg:$0x3] =	wrdreg s24  }
0xb2: {  	[dreg:$0x4] =	wrdreg s18  }
0xb3: {  	[dreg:$0x5] =	wrdreg s4  }
0xb4: {  	[dreg:$0x6] =	wrdreg $0x4000  }
0xb5: {  	[dreg:$0x7] =	wrdreg $0x9  }
0xb6: {  	_ =	task.clear_ibuf [dreg:s9], $0x8FFFF;
	_ =	strace $0x90000046  }
0xb7: {  	s29 =	simm.s32 $0x9;
	_ =	strace $0x80000048  }
0xb8: {  	_ =	swait.ge [sflag:s29], $0x1  }
0xb9: {  	[sflag:s29] =	ssyncadd.s32 $0xFFFFFFFF  }
0xba: {  	_ =	strace $0x90000048  }
0xbb: {  	_ =	sfence  }
0xbc: {  	s30 =	sld [smem:$0x0];
	_ =	sdelay $0x2  }
0xbd: {  	s31 =	sshll.u32 s1, $0xD;
	s1 =	sshrl.u32 s1, $0x2  }
0xbe: {  	s3 =	sand.u32 $0x4000, s31;
	s1 =	sadd.s32 s1, s30  }
0xbf: {  	s0 =	sor.u32 s3, s0;
	s1 =	sshll.u32 s1, $0x11  }
0xc0: {  	s0 =	sor.u32 s1, s0  }
0xc1: {  	s0 =	sadd.s32 $0x8F2B, s0  }
0xc2: {  	[sflag:s0] =	ssyncadd.remote.s32 $0x1  }
0xc3: {  	_ =	sfence.sel $0xFFFF  }
0xc4: {  	[dreg:$0x0] =	wrdreg $0xFFFFFFFF;
	(pc) =	sbr.abs _section_cstart, $3  }
0xc5: {  	[dreg:$0x1] =	wrdreg $0xFFFFFFFF  }
0xc6: {  	_ =	task.clear_ibuf [dreg:s9], $0x2FFFF;
	_ =	strace $0x9FFFFFFF  }
0xc7: {  	(tm) =	ssettm $0x7FFFFFFF  }
tec
execute0_lowered:
.L_overlay_start_1:
0x0: {  	(tag) =	ssettag $0x1  }
0x1: {  	s2 =	rddreg [dreg:$0x0]  }
0x2: {  	s3 =	rddreg [dreg:$0x1]  }
0x3: {  	s4 =	rddreg [dreg:$0x2]  }
0x4: {  	s1 =	srdreg.scid;
	s5 =	rddreg [dreg:$0x3]  }
0x5: {  	s15 =	rddreg [dreg:$0x4];
	s6 =	sand.u32 $0x1, s1;
	s1 =	simm.s32 $0x0  }
0x6: {  	s10 =	sadd.s32 $0x8000, s15;
	[smem:$0x7FF] =	sst s1  }
0x7: {  	s11 =	sadd.s32 $0xC000, s15;
	_ =	strace $0x80000047;
	[dreg:$0xc] =	wrdreg s10  }
0x8: {  	s13 =	sadd.s32 $0x10000, s15;
	[dreg:$0xd] =	wrdreg s11  }
0x9: {  	s16 =	sadd.s32 $0x14000, s15;
	[dreg:$0xe] =	wrdreg s13  }
0xa: {  	s0 =	stileid.u32;
	s18 =	sadd.s32 $0x18000, s15;
	[dreg:$0x10] =	wrdreg s16  }
0xb: {  	s28 =	simm.s32 $0x1;
	s20 =	sadd.s32 $0x1C000, s15;
	[dreg:$0x12] =	wrdreg s18  }
0xc: {  	s31 =	simm.s32 $0x2;
	s22 =	sadd.s32 $0x1E000, s15;
	[dreg:$0x14] =	wrdreg s20  }
0xd: {  	s24 =	sadd.s32 $0x1F000, s15;
	s9 =	sshll.u32 s6, $0xE;
	[dreg:$0x16] =	wrdreg s22  }
0xe: {  	s30 =	simm.s32 $0x80;
	s4 =	sadd.s32 s4, s9;
	[dreg:$0x18] =	wrdreg s24  }
0xf: {  	p1 =	por $0x0, $0x0;
	s9 =	sadd.s32 $0x4000, s15;
	[dreg:$0x7] =	wrdreg s4  }
0x10: {  	s7 =	sshll.u32 s0, $0xB;
	s13 =	simm.s32 $0x180;
	[dreg:$0xb] =	wrdreg s9  }
0x11: {  	s3 =	sadd.s32 $0x400, s3;
	s16 =	simm.s32 $0x280;
	[smem:$0x7F7] =	sst s13  }
0x12: {  	s8 =	sshll.u32 s6, $0xA;
	s18 =	simm.s32 $0x300;
	[smem:$0x7F9] =	sst s16  }
0x13: {  	s7 =	sor.u32 s8, s7;
	s20 =	simm.s32 $0x380;
	[smem:$0x7FA] =	sst s18  }
0x14: {  	s8 =	sshrl.u32 s7, $0x3;
	s4 =	sadd.s32 $0x1000, s15;
	[smem:$0x7FB] =	sst s20  }
0x15: {  	s26 =	sshll.u32 s6, $0x7;
	s8 =	sadd.s32 s3, s8;
	[dreg:$0x9] =	wrdreg s4  }
0x16: {  	s12 =	sshll.u32 s7, $0x4;
	s3 =	sadd.s32 s3, s26;
	[dreg:$0x6] =	wrdreg s8  }
0x17: {  	p0 =	sne.s32 s0, $0x0;
	s7 =	sadd.s32 s5, s12;
	[dreg:$0x8] =	wrdreg s3  }
0x18: {  	s6 =	ssub.s32 $0x2, s6;
	s12 =	simm.s32 $0x100;
	[smem:$0x7F6] =	sst s7  }
0x19: {  	s24 =	simm.s32 $0x4;
	s8 =	sadd.s32 $0x2000, s15;
	[dreg:$0x1f] =	wrdreg s12  }
0x1a: {  	s22 =	simm.s32 $0x5;
	s14 =	sadd.s32 $0x200, s7;
	[dreg:$0xa] =	wrdreg s8  }
0x1b: {  	s9 =	sshrl.u32 s6, $0x1;
	s17 =	sadd.s32 $0x400, s7;
	[dreg:$0xf] =	wrdreg s14  }
0x1c: {  	s20 =	simm.s32 $0x9;
	s19 =	sadd.s32 $0x800, s7;
	[dreg:$0x11] =	wrdreg s17  }
0x1d: {  	s16 =	simm.s32 $0xC;
	s21 =	sadd.s32 $0x1000, s7;
	[dreg:$0x13] =	wrdreg s19  }
0x1e: {  	s13 =	simm.s32 $0x15;
	s23 =	sadd.s32 $0x1800, s7;
	[dreg:$0x15] =	wrdreg s21  }
0x1f: {  	s25 =	sadd.s32 $0x2000, s7;
	s26 =	sadd.s32 $0x2800, s7;
	[dreg:$0x17] =	wrdreg s23  }
0x20: {  	s4 =	sadd.s32 $0x3000, s7;
	s5 =	sadd.s32 $0x3800, s7;
	[dreg:$0x19] =	wrdreg s25  }
0x21: {  	s10 =	sadd.s32 $0x3E00, s7;
	s3 =	simm.s32 $0x12400;
	[dreg:$0x1a] =	wrdreg s26  }
0x22: {  	s12 =	simm.s32 $0x10;
	s15 =	sshrl.u32 @!p0 s15, $0x3;
	[dreg:$0x1b] =	wrdreg s4  }
0x23: {  	[dreg:$0x1c] =	wrdreg s5;
	s8 =	sadd.s32 $0x3C00, s7;
	s4 =	ssub.s32 s6, s9  }
0x24: {  	[dreg:$0x1e] =	wrdreg s10;
	s7 =	simm.s32 $0x2400;
	s6 =	simm.s32 $0x6400  }
0x25: {  	s5 =	simm.s32 $0xA400;
	s25 =	simm.s32 $0x1A400;
	s11 =	smax.u32 s4, $0x1  }
0x26: {  	s17 =	simm.s32 $0x20;
	s26 =	simm.s32 $0x3;
	s29 =	sadd.s32 $0xFFFFFFFF, s11  }
0x27: {  	s14 =	simm.s32 $0x200;
	s0 =	rddreg [dreg:$0x6];
	p2 =	sne.s32 s29, $0x0  }
.Ltmp0:
0x28: {  	s19 =	simm.s32 $0x8;
	[dreg:$0x1d] =	wrdreg s8;
	(pc) =	sbr.rel @!p2 .LBB2_1-.Ltmp0, $4  }
0x29: {  	s21 =	simm.s32 $0x3C0;
	s23 =	simm.s32 $0x3E0;
	[smem:$0x7F8] =	sst s14  }
0x2a: {  	s9 =	simm.s32 $0xF;
	s10 =	simm.s32 $0x12;
	[smem:$0x7FC] =	sst s21  }
0x2b: {  	s4 =	simm.s32 $0xE400;
	[smem:$0x7FD] =	sst s23;
	s23 =	simm.s32 $0xA  }
0x2c: {  	s21 =	simm.s32 $0xB;
	s8 =	simm.s32 $0x13;
	s11 =	simm.s32 $0x11  }
0x2d: {  	s14 =	simm.s32 @p0 $0x0;
	s17 =	simm.s32 @p0 $0x17  }
0x2e: {  	[tilespmem:s14], [sflag:$0x17] =	stream.linear.gather @p0 [hbm4b:s0+s14], $0x400, $0x38;
	[tilespmem:$0x1E400] =	vst v63  }
0x2f: {  	_ =	swait.ge @p0 [sflag:s17], $0x400  }
0x30: {  	[sflag:s17] =	ssyncset.done @p0 $0x0  }
0x31: {  	s14 =	simm.s32 @!p0 $0x1C16;
	s0 =	rddreg [dreg:$0x7];
	[sflag:s17] =	ssyncadd.s32 @p0 $0xFFFFFC00  }
0x32: {  	[spmem:s15], [sflag:s14] =	dma.local @!p0 [hbm:s0], $0x4000  }
0x33: {  	s17 =	simm.s32 @!p0 $0x17;
	s14 =	simm.s32 @!p0 $0x0;
	s0 =	rddreg [dreg:$0x8]  }
0x34: {  	[tilespmem:s14], [sflag:$0x17] =	stream.linear.gather @!p0 [hbm4b:s0+s14], $0x400, $0x38;
	[tilespmem:$0x1E400] =	vst v63  }
0x35: {  	_ =	swait.ge @!p0 [sflag:s17], $0x400  }
0x36: {  	[sflag:s17] =	ssyncset.done @!p0 $0x0  }
0x37: {  	s0 =	simm.s32 @!p0 $0x16;
	[sflag:s17] =	ssyncadd.s32 @!p0 $0xFFFFFC00  }
0x38: {  	_ =	swait.ge @!p0 [sflag:s0], $0x4000  }
0x39: {  	[sflag:s0] =	ssyncset.done @!p0 $0x0  }
0x3a: {  	[sflag:s0] =	ssyncadd.s32 @!p0 $0xFFFFC000  }
0x3b: {  	[bflag:$0x0] =	sbarrier.arrive $0xFFFF  }
0x3c: {  	s0 =	rddreg [dreg:$0x9]  }
0x3d: {  	s17 =	rddreg [dreg:$0x4]  }
0x3e: {  	[tilespmem:s7], [sflag:$0x1] =	stream.linear.gather [spmem:s17], $0x1000, $0x38;
	[tilespmem:$0x1E400] =	vst v63  }
0x3f: {  	[smem:$0x7F5] =	sst s29  }
0x40: {  	[tilespmem:s6], [sflag:$0x2] =	stream.linear.gather [spmem:s0], $0x1000, $0x38;
	[tilespmem:$0x1E400] =	vst v63  }
0x41: {  	s29 =	rddreg [dreg:$0xa]  }
0x42: {  	[tilespmem:s5], [sflag:$0x3] =	stream.linear.gather [spmem:s29], $0x2000, $0x38;
	[tilespmem:$0x1E400] =	vst v63  }
0x43: {  	s14 =	rddreg [dreg:$0xb]  }
0x44: {  	[tilespmem:s4], [sflag:$0x4] =	stream.linear.gather [spmem:s14], $0x4000, $0x38;
	[tilespmem:$0x1E400] =	vst v63  }
0x45: {  	s29 =	rddreg [dreg:$0xc]  }
0x46: {  	[tilespmem:s3], [sflag:$0x5] =	stream.linear.gather [spmem:s29], $0x4000, $0x38;
	[tilespmem:$0x1E400] =	vst v63  }
0x47: {  	s18 =	simm.s32 $0x16400;
	s14 =	rddreg [dreg:$0xd]  }
0x48: {  	[tilespmem:s18], [sflag:$0x6] =	stream.linear.gather [spmem:s14], $0x4000, $0x38;
	[tilespmem:$0x1E400] =	vst v63  }
0x49: {  	s29 =	rddreg [dreg:$0xe]  }
0x4a: {  	[tilespmem:s25], [sflag:$0x7] =	stream.linear.gather [spmem:s29], $0x4000, $0x38;
	[tilespmem:$0x1E400] =	vst v63  }
0x4b: {  	_ =	swait.ge [sflag:s28], $0x1000  }
0x4c: {  	[sflag:s28] =	ssyncset.done $0x0  }
0x4d: {  	s17 =	simm.s32 $0x20;
	[sflag:s28] =	ssyncadd.s32 $0xFFFFF000  }
0x4e: {  	[tilespmem:s7], [sflag:$0x8] =	stream.indirect.gather.add.f32 [hbm:s2], $0x80, s1, s17, $0xb8;
	[tilespmem:$0x1E400] =	vst v63  }
0x4f: {  	_ =	swait.ge [sflag:s31], $0x1000  }
0x50: {  	[sflag:s31] =	ssyncset.done $0x0  }
0x51: {  	[sflag:s31] =	ssyncadd.s32 $0xFFFFF000  }
0x52: {  	[tilespmem:s6], [sflag:$0x9] =	stream.indirect.gather.add.f32 [hbm:s2], $0x80, s17, s17, $0xb8;
	[tilespmem:$0x1E400] =	vst v63  }
0x53: {  	_ =	swait.ge [sflag:s26], $0x2000  }
0x54: {  	[sflag:s26] =	ssyncset.done $0x0  }
0x55: {  	[smem:$0x7F4] =	sst s15;
	s15 =	simm.s32 $0x40;
	[sflag:s26] =	ssyncadd.s32 $0xFFFFE000  }
0x56: {  	[tilespmem:s5], [sflag:$0xA] =	stream.indirect.gather.add.f32 [hbm:s2], $0x80, s15, s15, $0xb8;
	[tilespmem:$0x1E400] =	vst v63  }
0x57: {  	_ =	swait.ge [sflag:s24], $0x4000  }
0x58: {  	[sflag:s24] =	ssyncset.done $0x0  }
0x59: {  	[sflag:s24] =	ssyncadd.s32 $0xFFFFC000  }
0x5a: {  	[tilespmem:s4], [sflag:$0xB] =	stream.indirect.gather.add.f32 [hbm:s2], $0x80, s30, s30, $0xb8;
	[tilespmem:$0x1E400] =	vst v63  }
0x5b: {  	_ =	swait.ge [sflag:s22], $0x4000  }
0x5c: {  	[sflag:s22] =	ssyncset.done $0x0  }
0x5d: {  	s29 =	simm.s32 $0x6;
	s18 =	rddreg [dreg:$0x1f];
	[sflag:s22] =	ssyncadd.s32 $0xFFFFC000  }
0x5e: {  	[tilespmem:s3], [sflag:$0xC] =	stream.indirect.gather.add.f32 [hbm:s2], $0x80, s18, s30, $0xb8;
	[tilespmem:$0x1E400] =	vst v63  }
0x5f: {  	_ =	swait.ge [sflag:s29], $0x4000  }
0x60: {  	s18 =	sld [smem:$0x7F7]  }
0x61: {  	[sflag:s29] =	ssyncset.done $0x0  }
0x62: {  	s14 =	simm.s32 $0x16400;
	[sflag:s29] =	ssyncadd.s32 $0xFFFFC000  }
0x63: {  	[tilespmem:s14], [sflag:$0xD] =	stream.indirect.gather.add.f32 [hbm:s2], $0x80, s18, s30, $0xb8;
	[tilespmem:$0x1E400] =	vst v63  }
0x64: {  	_ =	swait.ge [sflag:s19], $0x1000  }
0x65: {  	s18 =	sld [smem:$0x7F6]  }
0x66: {  	[sflag:s19] =	ssyncset.done $0x0  }
0x67: {  	[sflag:s19] =	ssyncadd.s32 $0xFFFFF000  }
0x68: {  	[hbm4b:s18+s1] =	stream.linear.scatter [tilespmem:s7], [sflag:$0xF], $0x1000, $0x38;
	[tilespmem:$0x1E400] =	vst v63  }
0x69: {  	s18 =	simm.s32 $0x7  }
0x6a: {  	_ =	swait.ge [sflag:s18], $0x4000  }
0x6b: {  	s0 =	sld [smem:$0x7F8]  }
0x6c: {  	[sflag:s18] =	ssyncset.done $0x0  }
0x6d: {  	[sflag:s18] =	ssyncadd.s32 $0xFFFFC000  }
0x6e: {  	[tilespmem:s25], [sflag:$0xE] =	stream.indirect.gather.add.f32 [hbm:s2], $0x80, s0, s30, $0xb8;
	[tilespmem:$0x1E400] =	vst v63  }
0x6f: {  	_ =	swait.ge [sflag:s20], $0x1000  }
0x70: {  	[sflag:s20] =	ssyncset.done $0x0  }
0x71: {  	s18 =	rddreg [dreg:$0xf];
	[sflag:s20] =	ssyncadd.s32 $0xFFFFF000  }
0x72: {  	[hbm4b:s18+s1] =	stream.linear.scatter [tilespmem:s6], [sflag:$0x10], $0x1000, $0x38;
	[tilespmem:$0x1E400] =	vst v63  }
0x73: {  	_ =	swait.ge [sflag:s9], $0x1000  }
0x74: {  	[sflag:s9] =	ssyncset.done $0x0  }
0x75: {  	s18 =	rddreg [dreg:$0x10];
	[sflag:s9] =	ssyncadd.s32 $0xFFFFF000  }
0x76: {  	[tilespmem:s7], [sflag:$0x1] =	stream.linear.gather [spmem:s18], $0x4000, $0x38;
	[tilespmem:$0x1E400] =	vst v63  }
0x77: {  	_ =	swait.ge [sflag:s28], $0x4000  }
0x78: {  	s18 =	sld [smem:$0x7F9]  }
0x79: {  	[sflag:s28] =	ssyncset.done $0x0  }
0x7a: {  	[sflag:s28] =	ssyncadd.s32 $0xFFFFC000  }
0x7b: {  	[tilespmem:s7], [sflag:$0x8] =	stream.indirect.gather.add.f32 [hbm:s2], $0x80, s18, s30, $0xb8;
	[tilespmem:$0x1E400] =	vst v63  }
0x7c: {  	_ =	swait.ge [sflag:s23], $0x2000  }
0x7d: {  	[sflag:s23] =	ssyncset.done $0x0  }
0x7e: {  	s18 =	rddreg [dreg:$0x11];
	[sflag:s23] =	ssyncadd.s32 $0xFFFFE000  }
0x7f: {  	[hbm4b:s18+s1] =	stream.linear.scatter [tilespmem:s5], [sflag:$0x11], $0x2000, $0x38;
	[tilespmem:$0x1E400] =	vst v63  }
0x80: {  	_ =	swait.ge [sflag:s12], $0x1000  }
0x81: {  	[sflag:s12] =	ssyncset.done $0x0  }
0x82: {  	s18 =	rddreg [dreg:$0x12];
	[sflag:s12] =	ssyncadd.s32 $0xFFFFF000  }
0x83: {  	[tilespmem:s6], [sflag:$0x2] =	stream.linear.gather [spmem:s18], $0x4000, $0x38;
	[tilespmem:$0x1E400] =	vst v63  }
0x84: {  	_ =	swait.ge [sflag:s31], $0x4000  }
0x85: {  	s18 =	sld [smem:$0x7FA]  }
0x86: {  	[sflag:s31] =	ssyncset.done $0x0  }
0x87: {  	[sflag:s31] =	ssyncadd.s32 $0xFFFFC000  }
0x88: {  	[tilespmem:s6], [sflag:$0x9] =	stream.indirect.gather.add.f32 [hbm:s2], $0x80, s18, s30, $0xb8;
	[tilespmem:$0x1E400] =	vst v63  }
0x89: {  	_ =	swait.ge [sflag:s21], $0x4000  }
0x8a: {  	[sflag:s21] =	ssyncset.done $0x0  }
0x8b: {  	s18 =	rddreg [dreg:$0x13];
	[sflag:s21] =	ssyncadd.s32 $0xFFFFC000  }
0x8c: {  	[hbm4b:s18+s1] =	stream.linear.scatter [tilespmem:s4], [sflag:$0x12], $0x4000, $0x38;
	[tilespmem:$0x1E400] =	vst v63  }
0x8d: {  	_ =	swait.ge [sflag:s11], $0x2000  }
0x8e: {  	[sflag:s11] =	ssyncset.done $0x0  }
0x8f: {  	s18 =	rddreg [dreg:$0x14];
	[sflag:s11] =	ssyncadd.s32 $0xFFFFE000  }
0x90: {  	[tilespmem:s5], [sflag:$0x3] =	stream.linear.gather [spmem:s18], $0x2000, $0x38;
	[tilespmem:$0x1E400] =	vst v63  }
0x91: {  	_ =	swait.ge [sflag:s26], $0x2000  }
0x92: {  	s18 =	sld [smem:$0x7FB]  }
0x93: {  	[sflag:s26] =	ssyncset.done $0x0  }
0x94: {  	[sflag:s26] =	ssyncadd.s32 $0xFFFFE000  }
0x95: {  	[tilespmem:s5], [sflag:$0xA] =	stream.indirect.gather.add.f32 [hbm:s2], $0x80, s18, s15, $0xb8;
	[tilespmem:$0x1E400] =	vst v63  }
0x96: {  	_ =	swait.ge [sflag:s16], $0x4000  }
0x97: {  	[sflag:s16] =	ssyncset.done $0x0  }
0x98: {  	s18 =	rddreg [dreg:$0x15];
	[sflag:s16] =	ssyncadd.s32 $0xFFFFC000  }
0x99: {  	[hbm4b:s18+s1] =	stream.linear.scatter [tilespmem:s3], [sflag:$0x13], $0x4000, $0x38;
	[tilespmem:$0x1E400] =	vst v63  }
0x9a: {  	_ =	swait.ge [sflag:s10], $0x4000  }
0x9b: {  	[sflag:s10] =	ssyncset.done $0x0  }
0x9c: {  	s15 =	rddreg [dreg:$0x16];
	[sflag:s10] =	ssyncadd.s32 $0xFFFFC000  }
0x9d: {  	[tilespmem:s4], [sflag:$0x4] =	stream.linear.gather [spmem:s15], $0x1000, $0x38;
	[tilespmem:$0x1E400] =	vst v63  }
0x9e: {  	_ =	swait.ge [sflag:s24], $0x1000  }
0x9f: {  	s18 =	sld [smem:$0x7FC]  }
0xa0: {  	[sflag:s24] =	ssyncset.done $0x0  }
0xa1: {  	s0 =	simm.s32 $0xD;
	[sflag:s24] =	ssyncadd.s32 $0xFFFFF000  }
0xa2: {  	[tilespmem:s4], [sflag:$0xB] =	stream.indirect.gather.add.f32 [hbm:s2], $0x80, s18, s17, $0xb8;
	[tilespmem:$0x1E400] =	vst v63  }
0xa3: {  	_ =	swait.ge [sflag:s0], $0x4000  }
0xa4: {  	[sflag:s0] =	ssyncset.done $0x0  }
0xa5: {  	s18 =	rddreg [dreg:$0x17];
	[sflag:s0] =	ssyncadd.s32 $0xFFFFC000  }
0xa6: {  	[hbm4b:s18+s1] =	stream.linear.scatter [tilespmem:s14], [sflag:$0x14], $0x4000, $0x38;
	[tilespmem:$0x1E400] =	vst v63  }
0xa7: {  	_ =	swait.ge [sflag:s8], $0x4000  }
0xa8: {  	[sflag:s8] =	ssyncset.done $0x0  }
0xa9: {  	s15 =	rddreg [dreg:$0x18];
	[sflag:s8] =	ssyncadd.s32 $0xFFFFC000  }
0xaa: {  	[tilespmem:s3], [sflag:$0x5] =	stream.linear.gather [spmem:s15], $0x1000, $0x38;
	[tilespmem:$0x1E400] =	vst v63  }
0xab: {  	_ =	swait.ge [sflag:s22], $0x1000  }
0xac: {  	s18 =	sld [smem:$0x7FD]  }
0xad: {  	[sflag:s22] =	ssyncset.done $0x0  }
0xae: {  	s0 =	simm.s32 $0xE;
	[sflag:s22] =	ssyncadd.s32 $0xFFFFF000  }
0xaf: {  	[tilespmem:s3], [sflag:$0xC] =	stream.indirect.gather.add.f32 [hbm:s2], $0x80, s18, s17, $0xb8;
	[tilespmem:$0x1E400] =	vst v63  }
0xb0: {  	_ =	swait.ge [sflag:s0], $0x4000  }
0xb1: {  	[sflag:s0] =	ssyncset.done $0x0  }
0xb2: {  	s14 =	rddreg [dreg:$0x19];
	[sflag:s0] =	ssyncadd.s32 $0xFFFFC000  }
0xb3: {  	[hbm4b:s14+s1] =	stream.linear.scatter [tilespmem:s25], [sflag:$0x15], $0x4000, $0x38;
	[tilespmem:$0x1E400] =	vst v63  }
0xb4: {  	_ =	swait.ge [sflag:s19], $0x4000  }
0xb5: {  	[sflag:s19] =	ssyncset.done $0x0  }
0xb6: {  	s18 =	rddreg [dreg:$0x1a];
	[sflag:s19] =	ssyncadd.s32 $0xFFFFC000  }
0xb7: {  	[hbm4b:s18+s1] =	stream.linear.scatter [tilespmem:s7], [sflag:$0xF], $0x4000, $0x38;
	[tilespmem:$0x1E400] =	vst v63  }
0xb8: {  	_ =	swait.ge [sflag:s20], $0x4000  }
0xb9: {  	[sflag:s20] =	ssyncset.done $0x0  }
0xba: {  	s14 =	rddreg [dreg:$0x1b];
	[sflag:s20] =	ssyncadd.s32 $0xFFFFC000  }
0xbb: {  	[hbm4b:s14+s1] =	stream.linear.scatter [tilespmem:s6], [sflag:$0x10], $0x4000, $0x38;
	[tilespmem:$0x1E400] =	vst v63  }
0xbc: {  	_ =	swait.ge [sflag:s23], $0x2000  }
0xbd: {  	[sflag:s23] =	ssyncset.done $0x0  }
0xbe: {  	s15 =	rddreg [dreg:$0x1c];
	[sflag:s23] =	ssyncadd.s32 $0xFFFFE000  }
0xbf: {  	[hbm4b:s15+s1] =	stream.linear.scatter [tilespmem:s5], [sflag:$0x11], $0x2000, $0x38;
	[tilespmem:$0x1E400] =	vst v63  }
0xc0: {  	_ =	swait.ge [sflag:s21], $0x1000  }
0xc1: {  	[sflag:s21] =	ssyncset.done $0x0  }
0xc2: {  	s18 =	rddreg [dreg:$0x1d];
	[sflag:s21] =	ssyncadd.s32 $0xFFFFF000  }
0xc3: {  	[hbm4b:s18+s1] =	stream.linear.scatter [tilespmem:s4], [sflag:$0x12], $0x1000, $0x38;
	[tilespmem:$0x1E400] =	vst v63  }
0xc4: {  	_ =	swait.ge [sflag:s16], $0x1000  }
0xc5: {  	[sflag:s16] =	ssyncset.done $0x0  }
0xc6: {  	s15 =	simm.s32 $0x14;
	s14 =	rddreg [dreg:$0x1e];
	[sflag:s16] =	ssyncadd.s32 $0xFFFFF000  }
0xc7: {  	[hbm4b:s14+s1] =	stream.linear.scatter [tilespmem:s3], [sflag:$0x13], $0x1000, $0x38;
	[tilespmem:$0x1E400] =	vst v63  }
0xc8: {  	_ =	swait.ge [sflag:s15], $0x4000  }
0xc9: {  	[sflag:s15] =	ssyncset.done $0x0  }
0xca: {  	[sflag:s15] =	ssyncadd.s32 $0xFFFFC000  }
0xcb: {  	_ =	swait.ge [sflag:s13], $0x4000  }
0xcc: {  	[sflag:s13] =	ssyncset.done $0x0  }
0xcd: {  	[sflag:s13] =	ssyncadd.s32 $0xFFFFC000  }
0xce: {  	_ =	swait.ge [sflag:s9], $0x4000  }
0xcf: {  	[sflag:s9] =	ssyncset.done $0x0  }
0xd0: {  	[sflag:s9] =	ssyncadd.s32 $0xFFFFC000  }
0xd1: {  	_ =	swait.ge [sflag:s12], $0x4000  }
0xd2: {  	[sflag:s12] =	ssyncset.done $0x0  }
0xd3: {  	[sflag:s12] =	ssyncadd.s32 $0xFFFFC000  }
0xd4: {  	_ =	swait.ge [sflag:s11], $0x2000  }
0xd5: {  	[sflag:s11] =	ssyncset.done $0x0  }
0xd6: {  	[sflag:s11] =	ssyncadd.s32 $0xFFFFE000  }
0xd7: {  	_ =	swait.ge [sflag:s10], $0x1000  }
0xd8: {  	s18 =	sld [smem:$0x7F5];
	_ =	sdelay $0x2  }
0xd9: {  	s29 =	sadd.s32 $0xFFFFFFFF, s18  }
0xda: {  	p2 =	sne.s32 s29, $0x0  }
.Ltmp1:
0xdb: {  	_ = 	snop;
	(pc) =	sbr.rel @!p2 .LBB2_3-.Ltmp1, $4  }
0xdc: {  	[sflag:s10] =	ssyncset.done $0x0  }
0xdd: {  	[sflag:s10] =	ssyncadd.s32 $0xFFFFF000  }
0xde: {  	_ =	swait.ge [sflag:s8], $0x1000  }
0xdf: {  	p1 =	por $0x1, $0x1;
	s0 =	rddreg [dreg:$0x6];
	[sflag:s8] =	ssyncset.done $0x0  }
.LBB2_4:
0xe0: {  	[sflag:s8] =	ssyncadd.s32 $0xFFFFF000;
	s13 =	simm.s32 @p0 $0x0  }
0xe1: {  	[tilespmem:s13], [sflag:$0x17] =	stream.linear.gather @p0 [hbm4b:s0+s13], $0x400, $0x38;
	[tilespmem:$0x1E400] =	vst v63  }
0xe2: {  	s13 =	simm.s32 @p0 $0x17  }
0xe3: {  	_ =	swait.ge @p0 [sflag:s13], $0x400  }
0xe4: {  	s14 =	sld [smem:$0x7F4]  }
0xe5: {  	[sflag:s13] =	ssyncset.done @p0 $0x0  }
0xe6: {  	s0 =	rddreg [dreg:$0x7];
	[sflag:s13] =	ssyncadd.s32 @p0 $0xFFFFFC00;
	s13 =	simm.s32 @!p0 $0x1C16  }
0xe7: {  	[spmem:s14], [sflag:s13] =	dma.local @!p0 [hbm:s0], $0x4000  }
0xe8: {  	s13 =	simm.s32 @!p0 $0x0;
	s0 =	rddreg [dreg:$0x8]  }
0xe9: {  	[tilespmem:s13], [sflag:$0x17] =	stream.linear.gather @!p0 [hbm4b:s0+s13], $0x400, $0x38;
	[tilespmem:$0x1E400] =	vst v63  }
0xea: {  	s0 =	simm.s32 @!p0 $0x17  }
0xeb: {  	_ =	swait.ge @!p0 [sflag:s0], $0x400  }
0xec: {  	[sflag:s0] =	ssyncset.done @!p0 $0x0  }
0xed: {  	[sflag:s0] =	ssyncadd.s32 @!p0 $0xFFFFFC00;
	s0 =	simm.s32 @!p0 $0x16  }
0xee: {  	_ =	swait.ge @!p0 [sflag:s0], $0x4000  }
0xef: {  	[sflag:s0] =	ssyncset.done @!p0 $0x0  }
0xf0: {  	[sflag:s0] =	ssyncadd.s32 @!p0 $0xFFFFC000  }
0xf1: {  	[bflag:$0x0] =	sbarrier.arrive $0xFFFF  }
0xf2: {  	s25 =	rddreg [dreg:$0x4]  }
0xf3: {  	[tilespmem:s7], [sflag:$0x1] =	stream.linear.gather [spmem:s25], $0x1000, $0x38;
	[tilespmem:$0x1E400] =	vst v63  }
0xf4: {  	s18 =	rddreg [dreg:$0x9]  }
0xf5: {  	[tilespmem:s6], [sflag:$0x2] =	stream.linear.gather [spmem:s18], $0x1000, $0x38;
	[tilespmem:$0x1E400] =	vst v63  }
0xf6: {  	s25 =	rddreg [dreg:$0xa]  }
0xf7: {  	[tilespmem:s5], [sflag:$0x3] =	stream.linear.gather [spmem:s25], $0x2000, $0x38;
	[tilespmem:$0x1E400] =	vst v63  }
0xf8: {  	s14 =	rddreg [dreg:$0xb]  }
0xf9: {  	[tilespmem:s4], [sflag:$0x4] =	stream.linear.gather [spmem:s14], $0x4000, $0x38;
	[tilespmem:$0x1E400] =	vst v63  }
0xfa: {  	s15 =	rddreg [dreg:$0xc]  }
0xfb: {  	[tilespmem:s3], [sflag:$0x5] =	stream.linear.gather [spmem:s15], $0x4000, $0x38;
	[tilespmem:$0x1E400] =	vst v63  }
0xfc: {  	s18 =	rddreg [dreg:$0xd];
	s14 =	simm.s32 $0x16400  }
0xfd: {  	[tilespmem:s14], [sflag:$0x6] =	stream.linear.gather [spmem:s18], $0x4000, $0x38;
	[tilespmem:$0x1E400] =	vst v63  }
0xfe: {  	s13 =	simm.s32 $0x1A400;
	s15 =	rddreg [dreg:$0xe]  }
0xff: {  	[tilespmem:s13], [sflag:$0x7] =	stream.linear.gather [spmem:s15], $0x4000, $0x38;
	[tilespmem:$0x1E400] =	vst v63  }
0x100: {  	_ =	swait.ge [sflag:s28], $0x1000  }
0x101: {  	[sflag:s28] =	ssyncset.done $0x0  }
0x102: {  	[sflag:s28] =	ssyncadd.s32 $0xFFFFF000  }
0x103: {  	[tilespmem:s7], [sflag:$0x8] =	stream.indirect.gather.add.f32 [hbm:s2], $0x80, s1, s17, $0xb8;
	[tilespmem:$0x1E400] =	vst v63  }
0x104: {  	_ =	swait.ge [sflag:s31], $0x1000  }
0x105: {  	[sflag:s31] =	ssyncset.done $0x0  }
0x106: {  	[sflag:s31] =	ssyncadd.s32 $0xFFFFF000  }
0x107: {  	[tilespmem:s6], [sflag:$0x9] =	stream.indirect.gather.add.f32 [hbm:s2], $0x80, s17, s17, $0xb8;
	[tilespmem:$0x1E400] =	vst v63  }
0x108: {  	_ =	swait.ge [sflag:s26], $0x2000  }
0x109: {  	[sflag:s26] =	ssyncset.done $0x0  }
0x10a: {  	s15 =	simm.s32 $0x40;
	[sflag:s26] =	ssyncadd.s32 $0xFFFFE000  }
0x10b: {  	[tilespmem:s5], [sflag:$0xA] =	stream.indirect.gather.add.f32 [hbm:s2], $0x80, s15, s15, $0xb8;
	[tilespmem:$0x1E400] =	vst v63  }
0x10c: {  	_ =	swait.ge [sflag:s24], $0x4000  }
0x10d: {  	[sflag:s24] =	ssyncset.done $0x0  }
0x10e: {  	[sflag:s24] =	ssyncadd.s32 $0xFFFFC000  }
0x10f: {  	[tilespmem:s4], [sflag:$0xB] =	stream.indirect.gather.add.f32 [hbm:s2], $0x80, s30, s30, $0xb8;
	[tilespmem:$0x1E400] =	vst v63  }
0x110: {  	_ =	swait.ge [sflag:s22], $0x4000  }
0x111: {  	[sflag:s22] =	ssyncset.done $0x0  }
0x112: {  	s18 =	rddreg [dreg:$0x1f];
	[sflag:s22] =	ssyncadd.s32 $0xFFFFC000  }
0x113: {  	[tilespmem:s3], [sflag:$0xC] =	stream.indirect.gather.add.f32 [hbm:s2], $0x80, s18, s30, $0xb8;
	[tilespmem:$0x1E400] =	vst v63  }
0x114: {  	s18 =	simm.s32 $0x6  }
0x115: {  	_ =	swait.ge [sflag:s18], $0x4000  }
0x116: {  	s0 =	sld [smem:$0x7F7]  }
0x117: {  	[sflag:s18] =	ssyncset.done $0x0  }
0x118: {  	[sflag:s18] =	ssyncadd.s32 $0xFFFFC000  }
0x119: {  	[tilespmem:s14], [sflag:$0xD] =	stream.indirect.gather.add.f32 [hbm:s2], $0x80, s0, s30, $0xb8;
	[tilespmem:$0x1E400] =	vst v63  }
0x11a: {  	_ =	swait.ge [sflag:s19], $0x1000  }
0x11b: {  	s18 =	sld [smem:$0x7F6]  }
0x11c: {  	[sflag:s19] =	ssyncset.done $0x0  }
0x11d: {  	[sflag:s19] =	ssyncadd.s32 $0xFFFFF000  }
0x11e: {  	[hbm4b:s18+s1] =	stream.linear.scatter [tilespmem:s7], [sflag:$0xF], $0x1000, $0x38;
	[tilespmem:$0x1E400] =	vst v63  }
0x11f: {  	s18 =	simm.s32 $0x7  }
0x120: {  	_ =	swait.ge [sflag:s18], $0x4000  }
0x121: {  	s0 =	sld [smem:$0x7F8]  }
0x122: {  	[sflag:s18] =	ssyncset.done $0x0  }
0x123: {  	s25 =	simm.s32 $0x1A400;
	[sflag:s18] =	ssyncadd.s32 $0xFFFFC000  }
0x124: {  	[tilespmem:s25], [sflag:$0xE] =	stream.indirect.gather.add.f32 [hbm:s2], $0x80, s0, s30, $0xb8;
	[tilespmem:$0x1E400] =	vst v63  }
0x125: {  	_ =	swait.ge [sflag:s20], $0x1000  }
0x126: {  	[sflag:s20] =	ssyncset.done $0x0  }
0x127: {  	s18 =	rddreg [dreg:$0xf];
	[sflag:s20] =	ssyncadd.s32 $0xFFFFF000  }
0x128: {  	[hbm4b:s18+s1] =	stream.linear.scatter [tilespmem:s6], [sflag:$0x10], $0x1000, $0x38;
	[tilespmem:$0x1E400] =	vst v63  }
0x129: {  	_ =	swait.ge [sflag:s9], $0x1000  }
0x12a: {  	[sflag:s9] =	ssyncset.done $0x0  }
0x12b: {  	s18 =	rddreg [dreg:$0x10];
	[sflag:s9] =	ssyncadd.s32 $0xFFFFF000  }
0x12c: {  	[tilespmem:s7], [sflag:$0x1] =	stream.linear.gather [spmem:s18], $0x4000, $0x38;
	[tilespmem:$0x1E400] =	vst v63  }
0x12d: {  	_ =	swait.ge [sflag:s28], $0x4000  }
0x12e: {  	s18 =	sld [smem:$0x7F9]  }
0x12f: {  	[sflag:s28] =	ssyncset.done $0x0  }
0x130: {  	[sflag:s28] =	ssyncadd.s32 $0xFFFFC000  }
0x131: {  	[tilespmem:s7], [sflag:$0x8] =	stream.indirect.gather.add.f32 [hbm:s2], $0x80, s18, s30, $0xb8;
	[tilespmem:$0x1E400] =	vst v63  }
0x132: {  	_ =	swait.ge [sflag:s23], $0x2000  }
0x133: {  	[sflag:s23] =	ssyncset.done $0x0  }
0x134: {  	s18 =	rddreg [dreg:$0x11];
	[sflag:s23] =	ssyncadd.s32 $0xFFFFE000  }
0x135: {  	[hbm4b:s18+s1] =	stream.linear.scatter [tilespmem:s5], [sflag:$0x11], $0x2000, $0x38;
	[tilespmem:$0x1E400] =	vst v63  }
0x136: {  	_ =	swait.ge [sflag:s12], $0x1000  }
0x137: {  	[sflag:s12] =	ssyncset.done $0x0  }
0x138: {  	s18 =	rddreg [dreg:$0x12];
	[sflag:s12] =	ssyncadd.s32 $0xFFFFF000  }
0x139: {  	[tilespmem:s6], [sflag:$0x2] =	stream.linear.gather [spmem:s18], $0x4000, $0x38;
	[tilespmem:$0x1E400] =	vst v63  }
0x13a: {  	_ =	swait.ge [sflag:s31], $0x4000  }
0x13b: {  	s18 =	sld [smem:$0x7FA]  }
0x13c: {  	[sflag:s31] =	ssyncset.done $0x0  }
0x13d: {  	[sflag:s31] =	ssyncadd.s32 $0xFFFFC000  }
0x13e: {  	[tilespmem:s6], [sflag:$0x9] =	stream.indirect.gather.add.f32 [hbm:s2], $0x80, s18, s30, $0xb8;
	[tilespmem:$0x1E400] =	vst v63  }
0x13f: {  	_ =	swait.ge [sflag:s21], $0x4000  }
0x140: {  	[sflag:s21] =	ssyncset.done $0x0  }
0x141: {  	s18 =	rddreg [dreg:$0x13];
	[sflag:s21] =	ssyncadd.s32 $0xFFFFC000  }
0x142: {  	[hbm4b:s18+s1] =	stream.linear.scatter [tilespmem:s4], [sflag:$0x12], $0x4000, $0x38;
	[tilespmem:$0x1E400] =	vst v63  }
0x143: {  	_ =	swait.ge [sflag:s11], $0x2000  }
0x144: {  	[sflag:s11] =	ssyncset.done $0x0  }
0x145: {  	s18 =	rddreg [dreg:$0x14];
	[sflag:s11] =	ssyncadd.s32 $0xFFFFE000  }
0x146: {  	[tilespmem:s5], [sflag:$0x3] =	stream.linear.gather [spmem:s18], $0x2000, $0x38;
	[tilespmem:$0x1E400] =	vst v63  }
0x147: {  	_ =	swait.ge [sflag:s26], $0x2000  }
0x148: {  	s18 =	sld [smem:$0x7FB]  }
0x149: {  	[sflag:s26] =	ssyncset.done $0x0  }
0x14a: {  	[sflag:s26] =	ssyncadd.s32 $0xFFFFE000  }
0x14b: {  	[tilespmem:s5], [sflag:$0xA] =	stream.indirect.gather.add.f32 [hbm:s2], $0x80, s18, s15, $0xb8;
	[tilespmem:$0x1E400] =	vst v63  }
0x14c: {  	_ =	swait.ge [sflag:s16], $0x4000  }
0x14d: {  	[sflag:s16] =	ssyncset.done $0x0  }
0x14e: {  	s18 =	rddreg [dreg:$0x15];
	[sflag:s16] =	ssyncadd.s32 $0xFFFFC000  }
0x14f: {  	[hbm4b:s18+s1] =	stream.linear.scatter [tilespmem:s3], [sflag:$0x13], $0x4000, $0x38;
	[tilespmem:$0x1E400] =	vst v63  }
0x150: {  	_ =	swait.ge [sflag:s10], $0x4000  }
0x151: {  	[sflag:s10] =	ssyncset.done $0x0  }
0x152: {  	s15 =	rddreg [dreg:$0x16];
	[sflag:s10] =	ssyncadd.s32 $0xFFFFC000  }
0x153: {  	[tilespmem:s4], [sflag:$0x4] =	stream.linear.gather [spmem:s15], $0x1000, $0x38;
	[tilespmem:$0x1E400] =	vst v63  }
0x154: {  	_ =	swait.ge [sflag:s24], $0x1000  }
0x155: {  	s18 =	sld [smem:$0x7FC]  }
0x156: {  	[sflag:s24] =	ssyncset.done $0x0  }
0x157: {  	s0 =	simm.s32 $0xD;
	[sflag:s24] =	ssyncadd.s32 $0xFFFFF000  }
0x158: {  	[tilespmem:s4], [sflag:$0xB] =	stream.indirect.gather.add.f32 [hbm:s2], $0x80, s18, s17, $0xb8;
	[tilespmem:$0x1E400] =	vst v63  }
0x159: {  	_ =	swait.ge [sflag:s0], $0x4000  }
0x15a: {  	[sflag:s0] =	ssyncset.done $0x0  }
0x15b: {  	s18 =	rddreg [dreg:$0x17];
	[sflag:s0] =	ssyncadd.s32 $0xFFFFC000  }
0x15c: {  	[hbm4b:s18+s1] =	stream.linear.scatter [tilespmem:s14], [sflag:$0x14], $0x4000, $0x38;
	[tilespmem:$0x1E400] =	vst v63  }
0x15d: {  	_ =	swait.ge [sflag:s8], $0x4000  }
0x15e: {  	[sflag:s8] =	ssyncset.done $0x0  }
0x15f: {  	s15 =	rddreg [dreg:$0x18];
	[sflag:s8] =	ssyncadd.s32 $0xFFFFC000  }
0x160: {  	[tilespmem:s3], [sflag:$0x5] =	stream.linear.gather [spmem:s15], $0x1000, $0x38;
	[tilespmem:$0x1E400] =	vst v63  }
0x161: {  	_ =	swait.ge [sflag:s22], $0x1000  }
0x162: {  	s18 =	sld [smem:$0x7FD]  }
0x163: {  	[sflag:s22] =	ssyncset.done $0x0  }
0x164: {  	s14 =	simm.s32 $0xE;
	[sflag:s22] =	ssyncadd.s32 $0xFFFFF000  }
0x165: {  	[tilespmem:s3], [sflag:$0xC] =	stream.indirect.gather.add.f32 [hbm:s2], $0x80, s18, s17, $0xb8;
	[tilespmem:$0x1E400] =	vst v63  }
0x166: {  	_ =	swait.ge [sflag:s14], $0x4000  }
0x167: {  	[sflag:s14] =	ssyncset.done $0x0  }
0x168: {  	s18 =	rddreg [dreg:$0x19];
	[sflag:s14] =	ssyncadd.s32 $0xFFFFC000  }
0x169: {  	[hbm4b:s18+s1] =	stream.linear.scatter [tilespmem:s25], [sflag:$0x15], $0x4000, $0x38;
	[tilespmem:$0x1E400] =	vst v63  }
0x16a: {  	_ =	swait.ge [sflag:s19], $0x4000  }
0x16b: {  	[sflag:s19] =	ssyncset.done $0x0  }
0x16c: {  	s14 =	rddreg [dreg:$0x1a];
	[sflag:s19] =	ssyncadd.s32 $0xFFFFC000  }
0x16d: {  	[hbm4b:s14+s1] =	stream.linear.scatter [tilespmem:s7], [sflag:$0xF], $0x4000, $0x38;
	[tilespmem:$0x1E400] =	vst v63  }
0x16e: {  	_ =	swait.ge [sflag:s20], $0x4000  }
0x16f: {  	[sflag:s20] =	ssyncset.done $0x0  }
0x170: {  	s15 =	rddreg [dreg:$0x1b];
	[sflag:s20] =	ssyncadd.s32 $0xFFFFC000  }
0x171: {  	[hbm4b:s15+s1] =	stream.linear.scatter [tilespmem:s6], [sflag:$0x10], $0x4000, $0x38;
	[tilespmem:$0x1E400] =	vst v63  }
0x172: {  	_ =	swait.ge [sflag:s23], $0x2000  }
0x173: {  	[sflag:s23] =	ssyncset.done $0x0  }
0x174: {  	s18 =	rddreg [dreg:$0x1c];
	[sflag:s23] =	ssyncadd.s32 $0xFFFFE000  }
0x175: {  	[hbm4b:s18+s1] =	stream.linear.scatter [tilespmem:s5], [sflag:$0x11], $0x2000, $0x38;
	[tilespmem:$0x1E400] =	vst v63  }
0x176: {  	_ =	swait.ge [sflag:s21], $0x1000  }
0x177: {  	[sflag:s21] =	ssyncset.done $0x0  }
0x178: {  	s14 =	rddreg [dreg:$0x1d];
	[sflag:s21] =	ssyncadd.s32 $0xFFFFF000  }
0x179: {  	[hbm4b:s14+s1] =	stream.linear.scatter [tilespmem:s4], [sflag:$0x12], $0x1000, $0x38;
	[tilespmem:$0x1E400] =	vst v63  }
0x17a: {  	_ =	swait.ge [sflag:s16], $0x1000  }
0x17b: {  	[sflag:s16] =	ssyncset.done $0x0  }
0x17c: {  	s18 =	simm.s32 $0x14;
	s15 =	rddreg [dreg:$0x1e];
	[sflag:s16] =	ssyncadd.s32 $0xFFFFF000  }
0x17d: {  	[hbm4b:s15+s1] =	stream.linear.scatter [tilespmem:s3], [sflag:$0x13], $0x1000, $0x38;
	[tilespmem:$0x1E400] =	vst v63  }
0x17e: {  	_ =	swait.ge [sflag:s18], $0x4000  }
0x17f: {  	[sflag:s18] =	ssyncset.done $0x0  }
0x180: {  	s13 =	simm.s32 $0x15;
	[sflag:s18] =	ssyncadd.s32 $0xFFFFC000  }
0x181: {  	_ =	swait.ge [sflag:s13], $0x4000  }
0x182: {  	[sflag:s13] =	ssyncset.done $0x0  }
0x183: {  	[sflag:s13] =	ssyncadd.s32 $0xFFFFC000  }
0x184: {  	_ =	swait.ge [sflag:s9], $0x4000  }
0x185: {  	[sflag:s9] =	ssyncset.done $0x0  }
0x186: {  	[sflag:s9] =	ssyncadd.s32 $0xFFFFC000  }
0x187: {  	_ =	swait.ge [sflag:s12], $0x4000  }
0x188: {  	[sflag:s12] =	ssyncset.done $0x0  }
0x189: {  	[sflag:s12] =	ssyncadd.s32 $0xFFFFC000  }
0x18a: {  	_ =	swait.ge [sflag:s11], $0x2000  }
0x18b: {  	s29 =	sadd.s32 $0xFFFFFFFF, s29;
	[sflag:s11] =	ssyncset.done $0x0  }
0x18c: {  	p2 =	sne.s32 s29, $0x0;
	[sflag:s11] =	ssyncadd.s32 $0xFFFFE000  }
.Ltmp2:
0x18d: {  	_ =	swait.ge [sflag:s10], $0x1000;
	(pc) =	sbr.rel @p2 .LBB2_4-.Ltmp2, $4  }
0x18e: {  	[sflag:s10] =	ssyncset.done $0x0  }
0x18f: {  	[sflag:s10] =	ssyncadd.s32 $0xFFFFF000  }
0x190: {  	_ =	swait.ge [sflag:s8], $0x1000  }
0x191: {  	s0 =	rddreg [dreg:$0x6];
	[sflag:s8] =	ssyncset.done $0x0  }
0x192: {  	s29 =	sld [smem:$0x7F4]  }
0x193: {  	s18 =	rddreg [dreg:$0x4];
	s14 =	simm.s32 $0x16400;
	s17 =	simm.s32 $0x20  }
.LBB2_6:
0x194: {  	[sflag:s8] =	ssyncadd.s32 @p1 $0xFFFFF000;
	s15 =	simm.s32 @p0 $0x0  }
0x195: {  	[tilespmem:s15], [sflag:$0x17] =	stream.linear.gather @p0 [hbm4b:s0+s15], $0x400, $0x38;
	[tilespmem:$0x1E400] =	vst v63  }
0x196: {  	s0 =	simm.s32 @p0 $0x17  }
0x197: {  	_ =	swait.ge @p0 [sflag:s0], $0x400  }
0x198: {  	[sflag:s0] =	ssyncset.done @p0 $0x0  }
0x199: {  	s15 =	rddreg [dreg:$0x7];
	[sflag:s0] =	ssyncadd.s32 @p0 $0xFFFFFC00;
	s0 =	simm.s32 @!p0 $0x1C16  }
0x19a: {  	[spmem:s29], [sflag:s0] =	dma.local @!p0 [hbm:s15], $0x4000  }
0x19b: {  	s15 =	simm.s32 @!p0 $0x0;
	s0 =	rddreg [dreg:$0x8]  }
0x19c: {  	[tilespmem:s15], [sflag:$0x17] =	stream.linear.gather @!p0 [hbm4b:s0+s15], $0x400, $0x38;
	[tilespmem:$0x1E400] =	vst v63  }
0x19d: {  	s0 =	simm.s32 @!p0 $0x17  }
0x19e: {  	_ =	swait.ge @!p0 [sflag:s0], $0x400  }
0x19f: {  	[sflag:s0] =	ssyncset.done @!p0 $0x0  }
0x1a0: {  	[sflag:s0] =	ssyncadd.s32 @!p0 $0xFFFFFC00;
	s0 =	simm.s32 @!p0 $0x16  }
0x1a1: {  	_ =	swait.ge @!p0 [sflag:s0], $0x4000  }
0x1a2: {  	[sflag:s0] =	ssyncset.done @!p0 $0x0  }
0x1a3: {  	[sflag:s0] =	ssyncadd.s32 @!p0 $0xFFFFC000  }
0x1a4: {  	[bflag:$0x0] =	sbarrier.arrive $0xFFFF  }
0x1a5: {  	[tilespmem:s7], [sflag:$0x1] =	stream.linear.gather [spmem:s18], $0x1000, $0x38;
	[tilespmem:$0x1E400] =	vst v63  }
0x1a6: {  	s15 =	rddreg [dreg:$0x9]  }
0x1a7: {  	[tilespmem:s6], [sflag:$0x2] =	stream.linear.gather [spmem:s15], $0x1000, $0x38;
	[tilespmem:$0x1E400] =	vst v63  }
0x1a8: {  	s18 =	rddreg [dreg:$0xa]  }
0x1a9: {  	[tilespmem:s5], [sflag:$0x3] =	stream.linear.gather [spmem:s18], $0x2000, $0x38;
	[tilespmem:$0x1E400] =	vst v63  }
0x1aa: {  	s29 =	rddreg [dreg:$0xb]  }
0x1ab: {  	[tilespmem:s4], [sflag:$0x4] =	stream.linear.gather [spmem:s29], $0x4000, $0x38;
	[tilespmem:$0x1E400] =	vst v63  }
0x1ac: {  	s18 =	rddreg [dreg:$0xc]  }
0x1ad: {  	[tilespmem:s3], [sflag:$0x5] =	stream.linear.gather [spmem:s18], $0x4000, $0x38;
	[tilespmem:$0x1E400] =	vst v63  }
0x1ae: {  	s29 =	rddreg [dreg:$0xd]  }
0x1af: {  	[tilespmem:s14], [sflag:$0x6] =	stream.linear.gather [spmem:s29], $0x4000, $0x38;
	[tilespmem:$0x1E400] =	vst v63  }
0x1b0: {  	s18 =	rddreg [dreg:$0xe]  }
0x1b1: {  	[tilespmem:s25], [sflag:$0x7] =	stream.linear.gather [spmem:s18], $0x4000, $0x38;
	[tilespmem:$0x1E400] =	vst v63  }
0x1b2: {  	_ =	swait.ge [sflag:s28], $0x1000  }
0x1b3: {  	[sflag:s28] =	ssyncset.done $0x0  }
0x1b4: {  	[sflag:s28] =	ssyncadd.s32 $0xFFFFF000  }
0x1b5: {  	[tilespmem:s7], [sflag:$0x8] =	stream.indirect.gather.add.f32 [hbm:s2], $0x80, s1, s17, $0xb8;
	[tilespmem:$0x1E400] =	vst v63  }
0x1b6: {  	_ =	swait.ge [sflag:s31], $0x1000  }
0x1b7: {  	[sflag:s31] =	ssyncset.done $0x0  }
0x1b8: {  	[sflag:s31] =	ssyncadd.s32 $0xFFFFF000  }
0x1b9: {  	[tilespmem:s6], [sflag:$0x9] =	stream.indirect.gather.add.f32 [hbm:s2], $0x80, s17, s17, $0xb8;
	[tilespmem:$0x1E400] =	vst v63  }
0x1ba: {  	_ =	swait.ge [sflag:s26], $0x2000  }
0x1bb: {  	[sflag:s26] =	ssyncset.done $0x0  }
0x1bc: {  	s15 =	simm.s32 $0x40;
	[sflag:s26] =	ssyncadd.s32 $0xFFFFE000  }
0x1bd: {  	[tilespmem:s5], [sflag:$0xA] =	stream.indirect.gather.add.f32 [hbm:s2], $0x80, s15, s15, $0xb8;
	[tilespmem:$0x1E400] =	vst v63  }
0x1be: {  	_ =	swait.ge [sflag:s24], $0x4000  }
0x1bf: {  	[sflag:s24] =	ssyncset.done $0x0  }
0x1c0: {  	[sflag:s24] =	ssyncadd.s32 $0xFFFFC000  }
0x1c1: {  	[tilespmem:s4], [sflag:$0xB] =	stream.indirect.gather.add.f32 [hbm:s2], $0x80, s30, s30, $0xb8;
	[tilespmem:$0x1E400] =	vst v63  }
0x1c2: {  	_ =	swait.ge [sflag:s22], $0x4000  }
0x1c3: {  	[sflag:s22] =	ssyncset.done $0x0  }
0x1c4: {  	s0 =	simm.s32 $0x6;
	s29 =	rddreg [dreg:$0x1f];
	[sflag:s22] =	ssyncadd.s32 $0xFFFFC000  }
0x1c5: {  	[tilespmem:s3], [sflag:$0xC] =	stream.indirect.gather.add.f32 [hbm:s2], $0x80, s29, s30, $0xb8;
	[tilespmem:$0x1E400] =	vst v63  }
0x1c6: {  	_ =	swait.ge [sflag:s0], $0x4000  }
0x1c7: {  	s29 =	sld [smem:$0x7F7]  }
0x1c8: {  	[sflag:s0] =	ssyncset.done $0x0  }
0x1c9: {  	[sflag:s0] =	ssyncadd.s32 $0xFFFFC000  }
0x1ca: {  	[tilespmem:s14], [sflag:$0xD] =	stream.indirect.gather.add.f32 [hbm:s2], $0x80, s29, s30, $0xb8;
	[tilespmem:$0x1E400] =	vst v63  }
0x1cb: {  	_ =	swait.ge [sflag:s19], $0x1000  }
0x1cc: {  	s29 =	sld [smem:$0x7F6]  }
0x1cd: {  	[sflag:s19] =	ssyncset.done $0x0  }
0x1ce: {  	s0 =	simm.s32 $0x7;
	[sflag:s19] =	ssyncadd.s32 $0xFFFFF000  }
0x1cf: {  	[hbm4b:s29+s1] =	stream.linear.scatter [tilespmem:s7], [sflag:$0xF], $0x1000, $0x38;
	[tilespmem:$0x1E400] =	vst v63  }
0x1d0: {  	_ =	swait.ge [sflag:s0], $0x4000  }
0x1d1: {  	s29 =	sld [smem:$0x7F8]  }
0x1d2: {  	[sflag:s0] =	ssyncset.done $0x0  }
0x1d3: {  	[sflag:s0] =	ssyncadd.s32 $0xFFFFC000  }
0x1d4: {  	[tilespmem:s25], [sflag:$0xE] =	stream.indirect.gather.add.f32 [hbm:s2], $0x80, s29, s30, $0xb8;
	[tilespmem:$0x1E400] =	vst v63  }
0x1d5: {  	_ =	swait.ge [sflag:s20], $0x1000  }
0x1d6: {  	[sflag:s20] =	ssyncset.done $0x0  }
0x1d7: {  	s29 =	rddreg [dreg:$0xf];
	[sflag:s20] =	ssyncadd.s32 $0xFFFFF000  }
0x1d8: {  	[hbm4b:s29+s1] =	stream.linear.scatter [tilespmem:s6], [sflag:$0x10], $0x1000, $0x38;
	[tilespmem:$0x1E400] =	vst v63  }
0x1d9: {  	_ =	swait.ge [sflag:s9], $0x1000  }
0x1da: {  	[sflag:s9] =	ssyncset.done $0x0  }
0x1db: {  	s18 =	rddreg [dreg:$0x10];
	[sflag:s9] =	ssyncadd.s32 $0xFFFFF000  }
0x1dc: {  	[tilespmem:s7], [sflag:$0x1] =	stream.linear.gather [spmem:s18], $0x4000, $0x38;
	[tilespmem:$0x1E400] =	vst v63  }
0x1dd: {  	_ =	swait.ge [sflag:s28], $0x4000  }
0x1de: {  	s29 =	sld [smem:$0x7F9]  }
0x1df: {  	[sflag:s28] =	ssyncset.done $0x0  }
0x1e0: {  	[sflag:s28] =	ssyncadd.s32 $0xFFFFC000  }
0x1e1: {  	[tilespmem:s7], [sflag:$0x8] =	stream.indirect.gather.add.f32 [hbm:s2], $0x80, s29, s30, $0xb8;
	[tilespmem:$0x1E400] =	vst v63  }
0x1e2: {  	_ =	swait.ge [sflag:s23], $0x2000  }
0x1e3: {  	[sflag:s23] =	ssyncset.done $0x0  }
0x1e4: {  	s18 =	rddreg [dreg:$0x11];
	[sflag:s23] =	ssyncadd.s32 $0xFFFFE000  }
0x1e5: {  	[hbm4b:s18+s1] =	stream.linear.scatter [tilespmem:s5], [sflag:$0x11], $0x2000, $0x38;
	[tilespmem:$0x1E400] =	vst v63  }
0x1e6: {  	_ =	swait.ge [sflag:s12], $0x1000  }
0x1e7: {  	[sflag:s12] =	ssyncset.done $0x0  }
0x1e8: {  	s28 =	rddreg [dreg:$0x12];
	[sflag:s12] =	ssyncadd.s32 $0xFFFFF000  }
0x1e9: {  	[tilespmem:s6], [sflag:$0x2] =	stream.linear.gather [spmem:s28], $0x4000, $0x38;
	[tilespmem:$0x1E400] =	vst v63  }
0x1ea: {  	_ =	swait.ge [sflag:s31], $0x4000  }
0x1eb: {  	s29 =	sld [smem:$0x7FA]  }
0x1ec: {  	[sflag:s31] =	ssyncset.done $0x0  }
0x1ed: {  	[sflag:s31] =	ssyncadd.s32 $0xFFFFC000  }
0x1ee: {  	[tilespmem:s6], [sflag:$0x9] =	stream.indirect.gather.add.f32 [hbm:s2], $0x80, s29, s30, $0xb8;
	[tilespmem:$0x1E400] =	vst v63  }
0x1ef: {  	_ =	swait.ge [sflag:s21], $0x4000  }
0x1f0: {  	[sflag:s21] =	ssyncset.done $0x0  }
0x1f1: {  	s30 =	rddreg [dreg:$0x13];
	[sflag:s21] =	ssyncadd.s32 $0xFFFFC000  }
0x1f2: {  	[hbm4b:s30+s1] =	stream.linear.scatter [tilespmem:s4], [sflag:$0x12], $0x4000, $0x38;
	[tilespmem:$0x1E400] =	vst v63  }
0x1f3: {  	_ =	swait.ge [sflag:s11], $0x2000  }
0x1f4: {  	[sflag:s11] =	ssyncset.done $0x0  }
0x1f5: {  	s31 =	rddreg [dreg:$0x14];
	[sflag:s11] =	ssyncadd.s32 $0xFFFFE000  }
0x1f6: {  	[tilespmem:s5], [sflag:$0x3] =	stream.linear.gather [spmem:s31], $0x2000, $0x38;
	[tilespmem:$0x1E400] =	vst v63  }
0x1f7: {  	_ =	swait.ge [sflag:s26], $0x2000  }
0x1f8: {  	s18 =	sld [smem:$0x7FB]  }
0x1f9: {  	[sflag:s26] =	ssyncset.done $0x0  }
0x1fa: {  	[sflag:s26] =	ssyncadd.s32 $0xFFFFE000  }
0x1fb: {  	[tilespmem:s5], [sflag:$0xA] =	stream.indirect.gather.add.f32 [hbm:s2], $0x80, s18, s15, $0xb8;
	[tilespmem:$0x1E400] =	vst v63  }
0x1fc: {  	_ =	swait.ge [sflag:s16], $0x4000  }
0x1fd: {  	[sflag:s16] =	ssyncset.done $0x0  }
0x1fe: {  	s26 =	rddreg [dreg:$0x15];
	[sflag:s16] =	ssyncadd.s32 $0xFFFFC000  }
0x1ff: {  	[hbm4b:s26+s1] =	stream.linear.scatter [tilespmem:s3], [sflag:$0x13], $0x4000, $0x38;
	[tilespmem:$0x1E400] =	vst v63  }
0x200: {  	_ =	swait.ge [sflag:s10], $0x4000  }
0x201: {  	[sflag:s10] =	ssyncset.done $0x0  }
0x202: {  	s28 =	rddreg [dreg:$0x16];
	[sflag:s10] =	ssyncadd.s32 $0xFFFFC000  }
0x203: {  	[tilespmem:s4], [sflag:$0x4] =	stream.linear.gather [spmem:s28], $0x1000, $0x38;
	[tilespmem:$0x1E400] =	vst v63  }
0x204: {  	_ =	swait.ge [sflag:s24], $0x1000  }
0x205: {  	s29 =	sld [smem:$0x7FC]  }
0x206: {  	[sflag:s24] =	ssyncset.done $0x0  }
0x207: {  	s30 =	simm.s32 $0xD;
	[sflag:s24] =	ssyncadd.s32 $0xFFFFF000  }
0x208: {  	[tilespmem:s4], [sflag:$0xB] =	stream.indirect.gather.add.f32 [hbm:s2], $0x80, s29, s17, $0xb8;
	[tilespmem:$0x1E400] =	vst v63  }
0x209: {  	_ =	swait.ge [sflag:s30], $0x4000  }
0x20a: {  	[sflag:s30] =	ssyncset.done $0x0  }
0x20b: {  	s31 =	rddreg [dreg:$0x17];
	[sflag:s30] =	ssyncadd.s32 $0xFFFFC000  }
0x20c: {  	[hbm4b:s31+s1] =	stream.linear.scatter [tilespmem:s14], [sflag:$0x14], $0x4000, $0x38;
	[tilespmem:$0x1E400] =	vst v63  }
0x20d: {  	_ =	swait.ge [sflag:s8], $0x4000  }
0x20e: {  	[sflag:s8] =	ssyncset.done $0x0  }
0x20f: {  	s15 =	rddreg [dreg:$0x18];
	[sflag:s8] =	ssyncadd.s32 $0xFFFFC000  }
0x210: {  	[tilespmem:s3], [sflag:$0x5] =	stream.linear.gather [spmem:s15], $0x1000, $0x38;
	[tilespmem:$0x1E400] =	vst v63  }
0x211: {  	_ =	swait.ge [sflag:s22], $0x1000  }
0x212: {  	s18 =	sld [smem:$0x7FD]  }
0x213: {  	[sflag:s22] =	ssyncset.done $0x0  }
0x214: {  	[sflag:s22] =	ssyncadd.s32 $0xFFFFF000;
	s22 =	simm.s32 $0xE  }
0x215: {  	[tilespmem:s3], [sflag:$0xC] =	stream.indirect.gather.add.f32 [hbm:s2], $0x80, s18, s17, $0xb8;
	[tilespmem:$0x1E400] =	vst v63  }
0x216: {  	_ =	swait.ge [sflag:s22], $0x4000  }
0x217: {  	[sflag:s22] =	ssyncset.done $0x0  }
0x218: {  	s24 =	rddreg [dreg:$0x19];
	[sflag:s22] =	ssyncadd.s32 $0xFFFFC000  }
0x219: {  	[hbm4b:s24+s1] =	stream.linear.scatter [tilespmem:s25], [sflag:$0x15], $0x4000, $0x38;
	[tilespmem:$0x1E400] =	vst v63  }
0x21a: {  	_ =	swait.ge [sflag:s19], $0x4000  }
0x21b: {  	[sflag:s19] =	ssyncset.done $0x0  }
0x21c: {  	s25 =	rddreg [dreg:$0x1a];
	[sflag:s19] =	ssyncadd.s32 $0xFFFFC000  }
0x21d: {  	[hbm4b:s25+s1] =	stream.linear.scatter [tilespmem:s7], [sflag:$0xF], $0x4000, $0x38;
	[tilespmem:$0x1E400] =	vst v63  }
0x21e: {  	_ =	swait.ge [sflag:s20], $0x4000  }
0x21f: {  	[sflag:s20] =	ssyncset.done $0x0  }
0x220: {  	s26 =	rddreg [dreg:$0x1b];
	[sflag:s20] =	ssyncadd.s32 $0xFFFFC000  }
0x221: {  	[hbm4b:s26+s1] =	stream.linear.scatter [tilespmem:s6], [sflag:$0x10], $0x4000, $0x38;
	[tilespmem:$0x1E400] =	vst v63  }
0x222: {  	_ =	swait.ge [sflag:s23], $0x2000  }
0x223: {  	[sflag:s23] =	ssyncset.done $0x0  }
0x224: {  	s28 =	rddreg [dreg:$0x1c];
	[sflag:s23] =	ssyncadd.s32 $0xFFFFE000  }
0x225: {  	[hbm4b:s28+s1] =	stream.linear.scatter [tilespmem:s5], [sflag:$0x11], $0x2000, $0x38;
	[tilespmem:$0x1E400] =	vst v63  }
0x226: {  	_ =	swait.ge [sflag:s21], $0x1000  }
0x227: {  	[sflag:s21] =	ssyncset.done $0x0  }
0x228: {  	s29 =	rddreg [dreg:$0x1d];
	[sflag:s21] =	ssyncadd.s32 $0xFFFFF000  }
0x229: {  	[hbm4b:s29+s1] =	stream.linear.scatter [tilespmem:s4], [sflag:$0x12], $0x1000, $0x38;
	[tilespmem:$0x1E400] =	vst v63  }
0x22a: {  	_ =	swait.ge [sflag:s16], $0x1000  }
0x22b: {  	[sflag:s16] =	ssyncset.done $0x0  }
0x22c: {  	s31 =	simm.s32 $0x14;
	s30 =	rddreg [dreg:$0x1e];
	[sflag:s16] =	ssyncadd.s32 $0xFFFFF000  }
0x22d: {  	[hbm4b:s30+s1] =	stream.linear.scatter [tilespmem:s3], [sflag:$0x13], $0x1000, $0x38;
	[tilespmem:$0x1E400] =	vst v63  }
0x22e: {  	_ =	swait.ge [sflag:s31], $0x4000  }
0x22f: {  	[sflag:s31] =	ssyncset.done $0x0  }
0x230: {  	[sflag:s31] =	ssyncadd.s32 $0xFFFFC000  }
0x231: {  	_ =	swait.ge [sflag:s13], $0x4000  }
0x232: {  	[sflag:s13] =	ssyncset.done $0x0  }
0x233: {  	[sflag:s13] =	ssyncadd.s32 $0xFFFFC000  }
0x234: {  	_ =	swait.ge [sflag:s9], $0x4000  }
0x235: {  	[sflag:s9] =	ssyncset.done $0x0  }
0x236: {  	[sflag:s9] =	ssyncadd.s32 $0xFFFFC000  }
0x237: {  	_ =	swait.ge [sflag:s12], $0x4000  }
0x238: {  	[sflag:s12] =	ssyncset.done $0x0  }
0x239: {  	[sflag:s12] =	ssyncadd.s32 $0xFFFFC000  }
0x23a: {  	_ =	swait.ge [sflag:s11], $0x2000  }
0x23b: {  	[sflag:s11] =	ssyncset.done $0x0  }
0x23c: {  	[sflag:s11] =	ssyncadd.s32 $0xFFFFE000  }
0x23d: {  	_ =	swait.ge [sflag:s10], $0x1000  }
0x23e: {  	[sflag:s10] =	ssyncset.done $0x0  }
0x23f: {  	[sflag:s10] =	ssyncadd.s32 $0xFFFFF000  }
0x240: {  	_ =	swait.ge [sflag:s8], $0x1000  }
0x241: {  	[sflag:s8] =	ssyncset.done $0x0  }
0x242: {  	[sflag:s8] =	ssyncadd.s32 $0xFFFFF000  }
0x243: {  	_ =	sfence.sel $0x180000  }
0x244: {  	[bflag:$0x0] =	sbarrier.arrive $0xFFFF  }
0x245: {  	_ =	strace $0x90000047  }
0x246: {  	[bflag:$0x2] =	sbarrier.arrive $0xFFFF  }
0x247: {  	s0 =	rddreg [dreg:$0x5]  }
0x248: {  	s0 =	sadd.s32 @!p0 $0x100000, s0  }
0x249: {  	[sflag:s0] =	ssyncadd.tile.s32 @!p0 $0x1;
	_ =	shalt  }
.LBB2_1:
.Ltmp3:
0x24a: {  	(pc) =	sbr.rel .LBB2_6-.Ltmp3, $2  }
0x24b: {  	_ =	sdelay $0x2  }
0x24c: {  	s29 =	smov.u32 s15;
	s14 =	simm.s32 $0x16400;
	s18 =	rddreg [dreg:$0x4]  }
.LBB2_3:
.Ltmp4:
0x24d: {  	(pc) =	sbr.rel .LBB2_6-.Ltmp4, $3  }
0x24e: {  	_ =	sdelay $0x1  }
0x24f: {  	s29 =	sld [smem:$0x7F4]  }
0x250: {  	s18 =	rddreg [dreg:$0x4];
	s14 =	simm.s32 $0x16400;
	s17 =	simm.s32 $0x20  }
.Lfunc_end2:
_tile_overlayer_lowered:
.L_overlay_start_2:
0x251: {  	(tag) =	ssettag $0x2  }
0x252: {  	s0 =	rddreg [dreg:$0x0];
	s2 =	stileid.u32  }
0x253: {  	s1 =	rddreg [dreg:$0x1];
	p0 =	sne.s32 s2, $0x0  }
0x254: {  	s3 =	rddreg [dreg:$0x2];
	[bflag:$0x3] =	sbarrier.arrive $0xFFFF;
	s2 =	simm.s32 @!p0 $0x1C17  }
0x255: {  	[timem:s3], [sflag:s2] =	dma.local @!p0 [hbm:s0], s1  }
0x256: {  	s0 =	simm.s32 @!p0 $0x17  }
0x257: {  	_ =	swait.ge @!p0 [sflag:s0], s1  }
0x258: {  	s1 =	ssub.s32 @!p0 $0x0, s1;
	[sflag:s0] =	ssyncset.done @!p0 $0x0  }
0x259: {  	[sflag:s0] =	ssyncadd.s32 @!p0 s1  }
0x25a: {  	[bflag:$0x3] =	sbarrier.arrive $0xFFFF  }
0x25b: {  	_ =	shalt  }

</sc_bundles>
